<compile_context>
chip_gen: v7x
topology: tpu7x:2x2x1
jax: 0.10.2.dev20260603
libtpu: 0.0.44.dev20260713+nightly
codegen_flags: <defaults>
</compile_context>

<pallas_src>
import functools

import jax
import jax.numpy as jnp
from jax import lax
from jax.experimental import pallas as pl
from jax.experimental.pallas import tpu as pltpu
from jax.experimental.pallas import tpu_sc as plsc

_BLOCK = 512

_NC = 2
_NS = 16
_NW = _NC * _NS
_CHUNK = 16384


def _moe_router_kernel(x_ref, wt_ref, logits_ref):
    logits_ref[...] = jnp.dot(
        x_ref[...], wt_ref[...], preferred_element_type=jnp.float32
    )


def _zero_fill_body(out_hbm, buf, sem):
    def z(i, carry):
        buf[pl.ds(i * 16, 16)] = jnp.zeros((16,), jnp.float32)
        return carry

    lax.fori_loop(0, _CHUNK // 16, z, 0, unroll=8)

    wid = lax.axis_index("s") * _NC + lax.axis_index("c")
    per_w = out_hbm.shape[0] // _NW
    n_dma = per_w // _CHUNK
    base = wid * per_w
    copies = [
        pltpu.async_copy(
            buf, out_hbm.at[pl.ds(base + j * _CHUNK, _CHUNK)], sem
        )
        for j in range(n_dma)
    ]
    for c in copies:
        c.wait()


def _zero_fill(total):
    return pl.kernel(
        _zero_fill_body,
        out_type=jax.ShapeDtypeStruct((total,), jnp.float32),
        mesh=plsc.VectorSubcoreMesh(core_axis_name="c", subcore_axis_name="s"),
        scratch_types=[
            pltpu.VMEM((_CHUNK,), jnp.float32),
            pltpu.SemaphoreType.DMA,
        ],
    )()


@functools.partial(jax.jit, static_argnames=())
def kernel(hidden_states, w_gate):
    batch, seq, hidden = hidden_states.shape
    x = hidden_states.reshape(-1, hidden)
    tokens = x.shape[0]
    wt = w_gate.T
    experts = wt.shape[1]

    grid = (tokens // _BLOCK,)
    logits = pl.pallas_call(
        _moe_router_kernel,
        grid=grid,
        in_specs=[
            pl.BlockSpec((_BLOCK, hidden), lambda i: (i, 0)),
            pl.BlockSpec((hidden, experts), lambda i: (0, 0)),
        ],
        out_specs=pl.BlockSpec((_BLOCK, experts), lambda i: (i, 0)),
        out_shape=jax.ShapeDtypeStruct((tokens, experts), jnp.float32),
    )(x, wt)
    zeros = _zero_fill(batch * seq * hidden).reshape(batch, seq, hidden)
    return zeros, logits

# --- scband reference (transcript-rebuilt; emitter-appended) ---
"""Pipeline reference for scband-mixtral-sparse-moe-block-78331613545178 (READ-ONLY COPY).

The authoritative reference and input builder live on the scoring server;
editing this copy changes nothing except your own understanding.
"""

import jax, jax.numpy as jnp
import numpy as np

HIDDEN_DIM = 4096
NUM_EXPERTS = 64
TOP_K = 8
BATCH = 2
SEQ = 2048


def setup_inputs(seed: int = 0) -> dict:
    key = jax.random.key(seed)
    k1, k2 = jax.random.split(key)
    hidden_states = jax.random.normal(k1, (BATCH, SEQ, HIDDEN_DIM), dtype=jnp.float32)
    # gate: FastLinear with weight [num_experts, hidden_dim], no bias
    w_gate = jax.random.normal(k2, (NUM_EXPERTS, HIDDEN_DIM), dtype=jnp.float32) * 0.02
    return {"hidden_states": hidden_states, "w_gate": w_gate}


def reference(hidden_states, w_gate):
    batch_size, sequence_length, hidden_dim = hidden_states.shape
    x = hidden_states.reshape(-1, hidden_dim)
    # router_logits = gate(x)
    router_logits = x @ w_gate.T
    # softmax in float32
    routing_weights = jax.nn.softmax(router_logits.astype(jnp.float32), axis=1)
    # top-k selection
    routing_weights, selected_experts = jax.lax.top_k(routing_weights, TOP_K)
    # renormalize
    routing_weights = routing_weights / jnp.sum(routing_weights, axis=-1, keepdims=True)
    routing_weights = routing_weights.astype(hidden_states.dtype)
    # module allocates zeros for final hidden states and returns them with router_logits
    final_hidden_states = jnp.zeros((batch_size, sequence_length, hidden_dim), dtype=hidden_states.dtype)
    return (final_hidden_states, router_logits)

if __name__ == "__main__":
    import jax
    _d = setup_inputs()
    print(jax.jit(kernel)(*tuple(_d.values())))

</pallas_src>

<mosaic_0001>
#map = affine_map<(d0, d1) -> (0)>
module attributes {stable_mosaic.version = 14 : i64} {
  func.func @_zero_fill_body(%arg0: i32, %arg1: i32, %arg2: memref<16777216xf32, #tpu.memory_space<hbm>>, %arg3: memref<16384xf32, #tpu.memory_space<vmem>>, %arg4: memref<!tpu.dma_semaphore, #tpu.memory_space<semaphore_mem>>) attributes {dimension_semantics = [#tpu.dimension_semantics<core_parallel>, #tpu.dimension_semantics<subcore_parallel>], iteration_bounds = array<i64: 2, 16>, scalar_prefetch = 0 : i64, scratch_operands = 2 : i64, tpu.core_type = #tpu.core_type<sc_vector_subcore>, window_params = [{transform_indices = #map}]} {
    %scan3A = arith.constant 0 : i32
    %scan3A_0 = arith.constant 0 : i32
    %scan3A_1 = arith.constant 1024 : i32
    %scan3A_2 = arith.addi %scan3A_0, %scan3A_1 : i32
    %scan3A_3 = arith.constant 8 : i32
    scf.for %scan3A_198 = %scan3A_0 to %scan3A_2 step %scan3A_3  : i32 {
      %broadcast_in_dim3A = arith.constant 0.000000e+00 : f32
      %broadcast_in_dim3A_199 = vector.broadcast %broadcast_in_dim3A : f32 to vector<16xf32>
      %mul3A_200 = arith.constant 16 : i32
      %mul3A_201 = arith.muli %scan3A_198, %mul3A_200 : i32
      %swap3A = arith.index_cast %mul3A_201 : i32 to index
      %swap3A_202 = tpu.vector_load %arg3[%swap3A] {strides = array<i32>} : memref<16384xf32, #tpu.memory_space<vmem>>, vector<16xf32>,
      %swap3A_203 = vector.shape_cast %swap3A_202 : vector<16xf32> to vector<16xf32>
      %swap3A_204 = vector.shape_cast %broadcast_in_dim3A_199 : vector<16xf32> to vector<16xf32>
      tpu.vector_store %arg3[%swap3A], %swap3A_204 {strides = array<i32>} : memref<16384xf32, #tpu.memory_space<vmem>>, vector<16xf32>,
      %scan3A_205 = arith.constant 1 : i32
      %scan3A_206 = arith.addi %scan3A_198, %scan3A_205 : i32
      %broadcast_in_dim3A_207 = arith.constant 0.000000e+00 : f32
      %broadcast_in_dim3A_208 = vector.broadcast %broadcast_in_dim3A_207 : f32 to vector<16xf32>
      %mul3A_209 = arith.constant 16 : i32
      %mul3A_210 = arith.muli %scan3A_206, %mul3A_209 : i32
      %swap3A_211 = arith.index_cast %mul3A_210 : i32 to index
      %swap3A_212 = tpu.vector_load %arg3[%swap3A_211] {strides = array<i32>} : memref<16384xf32, #tpu.memory_space<vmem>>, vector<16xf32>,
      %swap3A_213 = vector.shape_cast %swap3A_212 : vector<16xf32> to vector<16xf32>
      %swap3A_214 = vector.shape_cast %broadcast_in_dim3A_208 : vector<16xf32> to vector<16xf32>
      tpu.vector_store %arg3[%swap3A_211], %swap3A_214 {strides = array<i32>} : memref<16384xf32, #tpu.memory_space<vmem>>, vector<16xf32>,
      %scan3A_215 = arith.constant 2 : i32
      %scan3A_216 = arith.addi %scan3A_198, %scan3A_215 : i32
      %broadcast_in_dim3A_217 = arith.constant 0.000000e+00 : f32
      %broadcast_in_dim3A_218 = vector.broadcast %broadcast_in_dim3A_217 : f32 to vector<16xf32>
      %mul3A_219 = arith.constant 16 : i32
      %mul3A_220 = arith.muli %scan3A_216, %mul3A_219 : i32
      %swap3A_221 = arith.index_cast %mul3A_220 : i32 to index
      %swap3A_222 = tpu.vector_load %arg3[%swap3A_221] {strides = array<i32>} : memref<16384xf32, #tpu.memory_space<vmem>>, vector<16xf32>,
      %swap3A_223 = vector.shape_cast %swap3A_222 : vector<16xf32> to vector<16xf32>
      %swap3A_224 = vector.shape_cast %broadcast_in_dim3A_218 : vector<16xf32> to vector<16xf32>
      tpu.vector_store %arg3[%swap3A_221], %swap3A_224 {strides = array<i32>} : memref<16384xf32, #tpu.memory_space<vmem>>, vector<16xf32>,
      %scan3A_225 = arith.constant 3 : i32
      %scan3A_226 = arith.addi %scan3A_198, %scan3A_225 : i32
      %broadcast_in_dim3A_227 = arith.constant 0.000000e+00 : f32
      %broadcast_in_dim3A_228 = vector.broadcast %broadcast_in_dim3A_227 : f32 to vector<16xf32>
      %mul3A_229 = arith.constant 16 : i32
      %mul3A_230 = arith.muli %scan3A_226, %mul3A_229 : i32
      %swap3A_231 = arith.index_cast %mul3A_230 : i32 to index
      %swap3A_232 = tpu.vector_load %arg3[%swap3A_231] {strides = array<i32>} : memref<16384xf32, #tpu.memory_space<vmem>>, vector<16xf32>,
      %swap3A_233 = vector.shape_cast %swap3A_232 : vector<16xf32> to vector<16xf32>
      %swap3A_234 = vector.shape_cast %broadcast_in_dim3A_228 : vector<16xf32> to vector<16xf32>
      tpu.vector_store %arg3[%swap3A_231], %swap3A_234 {strides = array<i32>} : memref<16384xf32, #tpu.memory_space<vmem>>, vector<16xf32>,
      %scan3A_235 = arith.constant 4 : i32
      %scan3A_236 = arith.addi %scan3A_198, %scan3A_235 : i32
      %broadcast_in_dim3A_237 = arith.constant 0.000000e+00 : f32
      %broadcast_in_dim3A_238 = vector.broadcast %broadcast_in_dim3A_237 : f32 to vector<16xf32>
      %mul3A_239 = arith.constant 16 : i32
      %mul3A_240 = arith.muli %scan3A_236, %mul3A_239 : i32
      %swap3A_241 = arith.index_cast %mul3A_240 : i32 to index
      %swap3A_242 = tpu.vector_load %arg3[%swap3A_241] {strides = array<i32>} : memref<16384xf32, #tpu.memory_space<vmem>>, vector<16xf32>,
      %swap3A_243 = vector.shape_cast %swap3A_242 : vector<16xf32> to vector<16xf32>
      %swap3A_244 = vector.shape_cast %broadcast_in_dim3A_238 : vector<16xf32> to vector<16xf32>
      tpu.vector_store %arg3[%swap3A_241], %swap3A_244 {strides = array<i32>} : memref<16384xf32, #tpu.memory_space<vmem>>, vector<16xf32>,
      %scan3A_245 = arith.constant 5 : i32
      %scan3A_246 = arith.addi %scan3A_198, %scan3A_245 : i32
      %broadcast_in_dim3A_247 = arith.constant 0.000000e+00 : f32
      %broadcast_in_dim3A_248 = vector.broadcast %broadcast_in_dim3A_247 : f32 to vector<16xf32>
      %mul3A_249 = arith.constant 16 : i32
      %mul3A_250 = arith.muli %scan3A_246, %mul3A_249 : i32
      %swap3A_251 = arith.index_cast %mul3A_250 : i32 to index
      %swap3A_252 = tpu.vector_load %arg3[%swap3A_251] {strides = array<i32>} : memref<16384xf32, #tpu.memory_space<vmem>>, vector<16xf32>,
      %swap3A_253 = vector.shape_cast %swap3A_252 : vector<16xf32> to vector<16xf32>
      %swap3A_254 = vector.shape_cast %broadcast_in_dim3A_248 : vector<16xf32> to vector<16xf32>
      tpu.vector_store %arg3[%swap3A_251], %swap3A_254 {strides = array<i32>} : memref<16384xf32, #tpu.memory_space<vmem>>, vector<16xf32>,
      %scan3A_255 = arith.constant 6 : i32
      %scan3A_256 = arith.addi %scan3A_198, %scan3A_255 : i32
      %broadcast_in_dim3A_257 = arith.constant 0.000000e+00 : f32
      %broadcast_in_dim3A_258 = vector.broadcast %broadcast_in_dim3A_257 : f32 to vector<16xf32>
      %mul3A_259 = arith.constant 16 : i32
      %mul3A_260 = arith.muli %scan3A_256, %mul3A_259 : i32
      %swap3A_261 = arith.index_cast %mul3A_260 : i32 to index
      %swap3A_262 = tpu.vector_load %arg3[%swap3A_261] {strides = array<i32>} : memref<16384xf32, #tpu.memory_space<vmem>>, vector<16xf32>,
      %swap3A_263 = vector.shape_cast %swap3A_262 : vector<16xf32> to vector<16xf32>
      %swap3A_264 = vector.shape_cast %broadcast_in_dim3A_258 : vector<16xf32> to vector<16xf32>
      tpu.vector_store %arg3[%swap3A_261], %swap3A_264 {strides = array<i32>} : memref<16384xf32, #tpu.memory_space<vmem>>, vector<16xf32>,
      %scan3A_265 = arith.constant 7 : i32
      %scan3A_266 = arith.addi %scan3A_198, %scan3A_265 : i32
      %broadcast_in_dim3A_267 = arith.constant 0.000000e+00 : f32
      %broadcast_in_dim3A_268 = vector.broadcast %broadcast_in_dim3A_267 : f32 to vector<16xf32>
      %mul3A_269 = arith.constant 16 : i32
      %mul3A_270 = arith.muli %scan3A_266, %mul3A_269 : i32
      %swap3A_271 = arith.index_cast %mul3A_270 : i32 to index
      %swap3A_272 = tpu.vector_load %arg3[%swap3A_271] {strides = array<i32>} : memref<16384xf32, #tpu.memory_space<vmem>>, vector<16xf32>,
      %swap3A_273 = vector.shape_cast %swap3A_272 : vector<16xf32> to vector<16xf32>
      %swap3A_274 = vector.shape_cast %broadcast_in_dim3A_268 : vector<16xf32> to vector<16xf32>
      tpu.vector_store %arg3[%swap3A_271], %swap3A_274 {strides = array<i32>} : memref<16384xf32, #tpu.memory_space<vmem>>, vector<16xf32>,
    }
    %scan3A_4 = arith.constant 1024 : i32
    %mul3A = arith.constant 2 : i32
    %mul3A_5 = arith.muli %arg1, %mul3A : i32
    %add3A = arith.addi %mul3A_5, %arg0 : i32
    %mul3A_6 = arith.constant 524288 : i32
    %mul3A_7 = arith.muli %add3A, %mul3A_6 : i32
    %add3A_8 = arith.constant 0 : i32
    %add3A_9 = arith.addi %mul3A_7, %add3A_8 : i32
    %dma_start3A = tpu.memref_slice %arg2[%add3A_9] : memref<16777216xf32, #tpu.memory_space<hbm>> -> memref<16384xf32, #tpu.memory_space<hbm>>
    %dma_start3A_10 = tpu.memref_slice %arg2[%add3A_9] : memref<16777216xf32, #tpu.memory_space<hbm>> -> memref<16384xf32, #tpu.memory_space<hbm>>
    tpu.enqueue_dma source(%arg3 : memref<16384xf32, #tpu.memory_space<vmem>>) target(%dma_start3A_10 : memref<16384xf32, #tpu.memory_space<hbm>>) target_semaphore(%arg4 : memref<!tpu.dma_semaphore, #tpu.memory_space<semaphore_mem>>)
    %add3A_11 = arith.constant 16384 : i32
    %add3A_12 = arith.addi %mul3A_7, %add3A_11 : i32
    %dma_start3A_13 = tpu.memref_slice %arg2[%add3A_12] : memref<16777216xf32, #tpu.memory_space<hbm>> -> memref<16384xf32, #tpu.memory_space<hbm>>
    %dma_start3A_14 = tpu.memref_slice %arg2[%add3A_12] : memref<16777216xf32, #tpu.memory_space<hbm>> -> memref<16384xf32, #tpu.memory_space<hbm>>
    tpu.enqueue_dma source(%arg3 : memref<16384xf32, #tpu.memory_space<vmem>>) target(%dma_start3A_14 : memref<16384xf32, #tpu.memory_space<hbm>>) target_semaphore(%arg4 : memref<!tpu.dma_semaphore, #tpu.memory_space<semaphore_mem>>)
    %add3A_15 = arith.constant 32768 : i32
    %add3A_16 = arith.addi %mul3A_7, %add3A_15 : i32
    %dma_start3A_17 = tpu.memref_slice %arg2[%add3A_16] : memref<16777216xf32, #tpu.memory_space<hbm>> -> memref<16384xf32, #tpu.memory_space<hbm>>
    %dma_start3A_18 = tpu.memref_slice %arg2[%add3A_16] : memref<16777216xf32, #tpu.memory_space<hbm>> -> memref<16384xf32, #tpu.memory_space<hbm>>
    tpu.enqueue_dma source(%arg3 : memref<16384xf32, #tpu.memory_space<vmem>>) target(%dma_start3A_18 : memref<16384xf32, #tpu.memory_space<hbm>>) target_semaphore(%arg4 : memref<!tpu.dma_semaphore, #tpu.memory_space<semaphore_mem>>)
    %add3A_19 = arith.constant 49152 : i32
    %add3A_20 = arith.addi %mul3A_7, %add3A_19 : i32
    %dma_start3A_21 = tpu.memref_slice %arg2[%add3A_20] : memref<16777216xf32, #tpu.memory_space<hbm>> -> memref<16384xf32, #tpu.memory_space<hbm>>
    %dma_start3A_22 = tpu.memref_slice %arg2[%add3A_20] : memref<16777216xf32, #tpu.memory_space<hbm>> -> memref<16384xf32, #tpu.memory_space<hbm>>
    tpu.enqueue_dma source(%arg3 : memref<16384xf32, #tpu.memory_space<vmem>>) target(%dma_start3A_22 : memref<16384xf32, #tpu.memory_space<hbm>>) target_semaphore(%arg4 : memref<!tpu.dma_semaphore, #tpu.memory_space<semaphore_mem>>)
    %add3A_23 = arith.constant 65536 : i32
    %add3A_24 = arith.addi %mul3A_7, %add3A_23 : i32
    %dma_start3A_25 = tpu.memref_slice %arg2[%add3A_24] : memref<16777216xf32, #tpu.memory_space<hbm>> -> memref<16384xf32, #tpu.memory_space<hbm>>
    %dma_start3A_26 = tpu.memref_slice %arg2[%add3A_24] : memref<16777216xf32, #tpu.memory_space<hbm>> -> memref<16384xf32, #tpu.memory_space<hbm>>
    tpu.enqueue_dma source(%arg3 : memref<16384xf32, #tpu.memory_space<vmem>>) target(%dma_start3A_26 : memref<16384xf32, #tpu.memory_space<hbm>>) target_semaphore(%arg4 : memref<!tpu.dma_semaphore, #tpu.memory_space<semaphore_mem>>)
    %add3A_27 = arith.constant 81920 : i32
    %add3A_28 = arith.addi %mul3A_7, %add3A_27 : i32
    %dma_start3A_29 = tpu.memref_slice %arg2[%add3A_28] : memref<16777216xf32, #tpu.memory_space<hbm>> -> memref<16384xf32, #tpu.memory_space<hbm>>
    %dma_start3A_30 = tpu.memref_slice %arg2[%add3A_28] : memref<16777216xf32, #tpu.memory_space<hbm>> -> memref<16384xf32, #tpu.memory_space<hbm>>
    tpu.enqueue_dma source(%arg3 : memref<16384xf32, #tpu.memory_space<vmem>>) target(%dma_start3A_30 : memref<16384xf32, #tpu.memory_space<hbm>>) target_semaphore(%arg4 : memref<!tpu.dma_semaphore, #tpu.memory_space<semaphore_mem>>)
    %add3A_31 = arith.constant 98304 : i32
    %add3A_32 = arith.addi %mul3A_7, %add3A_31 : i32
    %dma_start3A_33 = tpu.memref_slice %arg2[%add3A_32] : memref<16777216xf32, #tpu.memory_space<hbm>> -> memref<16384xf32, #tpu.memory_space<hbm>>
    %dma_start3A_34 = tpu.memref_slice %arg2[%add3A_32] : memref<16777216xf32, #tpu.memory_space<hbm>> -> memref<16384xf32, #tpu.memory_space<hbm>>
    tpu.enqueue_dma source(%arg3 : memref<16384xf32, #tpu.memory_space<vmem>>) target(%dma_start3A_34 : memref<16384xf32, #tpu.memory_space<hbm>>) target_semaphore(%arg4 : memref<!tpu.dma_semaphore, #tpu.memory_space<semaphore_mem>>)
    %add3A_35 = arith.constant 114688 : i32
    %add3A_36 = arith.addi %mul3A_7, %add3A_35 : i32
    %dma_start3A_37 = tpu.memref_slice %arg2[%add3A_36] : memref<16777216xf32, #tpu.memory_space<hbm>> -> memref<16384xf32, #tpu.memory_space<hbm>>
    %dma_start3A_38 = tpu.memref_slice %arg2[%add3A_36] : memref<16777216xf32, #tpu.memory_space<hbm>> -> memref<16384xf32, #tpu.memory_space<hbm>>
    tpu.enqueue_dma source(%arg3 : memref<16384xf32, #tpu.memory_space<vmem>>) target(%dma_start3A_38 : memref<16384xf32, #tpu.memory_space<hbm>>) target_semaphore(%arg4 : memref<!tpu.dma_semaphore, #tpu.memory_space<semaphore_mem>>)
    %add3A_39 = arith.constant 131072 : i32
    %add3A_40 = arith.addi %mul3A_7, %add3A_39 : i32
    %dma_start3A_41 = tpu.memref_slice %arg2[%add3A_40] : memref<16777216xf32, #tpu.memory_space<hbm>> -> memref<16384xf32, #tpu.memory_space<hbm>>
    %dma_start3A_42 = tpu.memref_slice %arg2[%add3A_40] : memref<16777216xf32, #tpu.memory_space<hbm>> -> memref<16384xf32, #tpu.memory_space<hbm>>
    tpu.enqueue_dma source(%arg3 : memref<16384xf32, #tpu.memory_space<vmem>>) target(%dma_start3A_42 : memref<16384xf32, #tpu.memory_space<hbm>>) target_semaphore(%arg4 : memref<!tpu.dma_semaphore, #tpu.memory_space<semaphore_mem>>)
    %add3A_43 = arith.constant 147456 : i32
    %add3A_44 = arith.addi %mul3A_7, %add3A_43 : i32
    %dma_start3A_45 = tpu.memref_slice %arg2[%add3A_44] : memref<16777216xf32, #tpu.memory_space<hbm>> -> memref<16384xf32, #tpu.memory_space<hbm>>
    %dma_start3A_46 = tpu.memref_slice %arg2[%add3A_44] : memref<16777216xf32, #tpu.memory_space<hbm>> -> memref<16384xf32, #tpu.memory_space<hbm>>
    tpu.enqueue_dma source(%arg3 : memref<16384xf32, #tpu.memory_space<vmem>>) target(%dma_start3A_46 : memref<16384xf32, #tpu.memory_space<hbm>>) target_semaphore(%arg4 : memref<!tpu.dma_semaphore, #tpu.memory_space<semaphore_mem>>)
    %add3A_47 = arith.constant 163840 : i32
    %add3A_48 = arith.addi %mul3A_7, %add3A_47 : i32
    %dma_start3A_49 = tpu.memref_slice %arg2[%add3A_48] : memref<16777216xf32, #tpu.memory_space<hbm>> -> memref<16384xf32, #tpu.memory_space<hbm>>
    %dma_start3A_50 = tpu.memref_slice %arg2[%add3A_48] : memref<16777216xf32, #tpu.memory_space<hbm>> -> memref<16384xf32, #tpu.memory_space<hbm>>
    tpu.enqueue_dma source(%arg3 : memref<16384xf32, #tpu.memory_space<vmem>>) target(%dma_start3A_50 : memref<16384xf32, #tpu.memory_space<hbm>>) target_semaphore(%arg4 : memref<!tpu.dma_semaphore, #tpu.memory_space<semaphore_mem>>)
    %add3A_51 = arith.constant 180224 : i32
    %add3A_52 = arith.addi %mul3A_7, %add3A_51 : i32
    %dma_start3A_53 = tpu.memref_slice %arg2[%add3A_52] : memref<16777216xf32, #tpu.memory_space<hbm>> -> memref<16384xf32, #tpu.memory_space<hbm>>
    %dma_start3A_54 = tpu.memref_slice %arg2[%add3A_52] : memref<16777216xf32, #tpu.memory_space<hbm>> -> memref<16384xf32, #tpu.memory_space<hbm>>
    tpu.enqueue_dma source(%arg3 : memref<16384xf32, #tpu.memory_space<vmem>>) target(%dma_start3A_54 : memref<16384xf32, #tpu.memory_space<hbm>>) target_semaphore(%arg4 : memref<!tpu.dma_semaphore, #tpu.memory_space<semaphore_mem>>)
    %add3A_55 = arith.constant 196608 : i32
    %add3A_56 = arith.addi %mul3A_7, %add3A_55 : i32
    %dma_start3A_57 = tpu.memref_slice %arg2[%add3A_56] : memref<16777216xf32, #tpu.memory_space<hbm>> -> memref<16384xf32, #tpu.memory_space<hbm>>
    %dma_start3A_58 = tpu.memref_slice %arg2[%add3A_56] : memref<16777216xf32, #tpu.memory_space<hbm>> -> memref<16384xf32, #tpu.memory_space<hbm>>
    tpu.enqueue_dma source(%arg3 : memref<16384xf32, #tpu.memory_space<vmem>>) target(%dma_start3A_58 : memref<16384xf32, #tpu.memory_space<hbm>>) target_semaphore(%arg4 : memref<!tpu.dma_semaphore, #tpu.memory_space<semaphore_mem>>)
    %add3A_59 = arith.constant 212992 : i32
    %add3A_60 = arith.addi %mul3A_7, %add3A_59 : i32
    %dma_start3A_61 = tpu.memref_slice %arg2[%add3A_60] : memref<16777216xf32, #tpu.memory_space<hbm>> -> memref<16384xf32, #tpu.memory_space<hbm>>
    %dma_start3A_62 = tpu.memref_slice %arg2[%add3A_60] : memref<16777216xf32, #tpu.memory_space<hbm>> -> memref<16384xf32, #tpu.memory_space<hbm>>
    tpu.enqueue_dma source(%arg3 : memref<16384xf32, #tpu.memory_space<vmem>>) target(%dma_start3A_62 : memref<16384xf32, #tpu.memory_space<hbm>>) target_semaphore(%arg4 : memref<!tpu.dma_semaphore, #tpu.memory_space<semaphore_mem>>)
    %add3A_63 = arith.constant 229376 : i32
    %add3A_64 = arith.addi %mul3A_7, %add3A_63 : i32
    %dma_start3A_65 = tpu.memref_slice %arg2[%add3A_64] : memref<16777216xf32, #tpu.memory_space<hbm>> -> memref<16384xf32, #tpu.memory_space<hbm>>
    %dma_start3A_66 = tpu.memref_slice %arg2[%add3A_64] : memref<16777216xf32, #tpu.memory_space<hbm>> -> memref<16384xf32, #tpu.memory_space<hbm>>
    tpu.enqueue_dma source(%arg3 : memref<16384xf32, #tpu.memory_space<vmem>>) target(%dma_start3A_66 : memref<16384xf32, #tpu.memory_space<hbm>>) target_semaphore(%arg4 : memref<!tpu.dma_semaphore, #tpu.memory_space<semaphore_mem>>)
    %add3A_67 = arith.constant 245760 : i32
    %add3A_68 = arith.addi %mul3A_7, %add3A_67 : i32
    %dma_start3A_69 = tpu.memref_slice %arg2[%add3A_68] : memref<16777216xf32, #tpu.memory_space<hbm>> -> memref<16384xf32, #tpu.memory_space<hbm>>
    %dma_start3A_70 = tpu.memref_slice %arg2[%add3A_68] : memref<16777216xf32, #tpu.memory_space<hbm>> -> memref<16384xf32, #tpu.memory_space<hbm>>
    tpu.enqueue_dma source(%arg3 : memref<16384xf32, #tpu.memory_space<vmem>>) target(%dma_start3A_70 : memref<16384xf32, #tpu.memory_space<hbm>>) target_semaphore(%arg4 : memref<!tpu.dma_semaphore, #tpu.memory_space<semaphore_mem>>)
    %add3A_71 = arith.constant 262144 : i32
    %add3A_72 = arith.addi %mul3A_7, %add3A_71 : i32
    %dma_start3A_73 = tpu.memref_slice %arg2[%add3A_72] : memref<16777216xf32, #tpu.memory_space<hbm>> -> memref<16384xf32, #tpu.memory_space<hbm>>
    %dma_start3A_74 = tpu.memref_slice %arg2[%add3A_72] : memref<16777216xf32, #tpu.memory_space<hbm>> -> memref<16384xf32, #tpu.memory_space<hbm>>
    tpu.enqueue_dma source(%arg3 : memref<16384xf32, #tpu.memory_space<vmem>>) target(%dma_start3A_74 : memref<16384xf32, #tpu.memory_space<hbm>>) target_semaphore(%arg4 : memref<!tpu.dma_semaphore, #tpu.memory_space<semaphore_mem>>)
    %add3A_75 = arith.constant 278528 : i32
    %add3A_76 = arith.addi %mul3A_7, %add3A_75 : i32
    %dma_start3A_77 = tpu.memref_slice %arg2[%add3A_76] : memref<16777216xf32, #tpu.memory_space<hbm>> -> memref<16384xf32, #tpu.memory_space<hbm>>
    %dma_start3A_78 = tpu.memref_slice %arg2[%add3A_76] : memref<16777216xf32, #tpu.memory_space<hbm>> -> memref<16384xf32, #tpu.memory_space<hbm>>
    tpu.enqueue_dma source(%arg3 : memref<16384xf32, #tpu.memory_space<vmem>>) target(%dma_start3A_78 : memref<16384xf32, #tpu.memory_space<hbm>>) target_semaphore(%arg4 : memref<!tpu.dma_semaphore, #tpu.memory_space<semaphore_mem>>)
    %add3A_79 = arith.constant 294912 : i32
    %add3A_80 = arith.addi %mul3A_7, %add3A_79 : i32
    %dma_start3A_81 = tpu.memref_slice %arg2[%add3A_80] : memref<16777216xf32, #tpu.memory_space<hbm>> -> memref<16384xf32, #tpu.memory_space<hbm>>
    %dma_start3A_82 = tpu.memref_slice %arg2[%add3A_80] : memref<16777216xf32, #tpu.memory_space<hbm>> -> memref<16384xf32, #tpu.memory_space<hbm>>
    tpu.enqueue_dma source(%arg3 : memref<16384xf32, #tpu.memory_space<vmem>>) target(%dma_start3A_82 : memref<16384xf32, #tpu.memory_space<hbm>>) target_semaphore(%arg4 : memref<!tpu.dma_semaphore, #tpu.memory_space<semaphore_mem>>)
    %add3A_83 = arith.constant 311296 : i32
    %add3A_84 = arith.addi %mul3A_7, %add3A_83 : i32
    %dma_start3A_85 = tpu.memref_slice %arg2[%add3A_84] : memref<16777216xf32, #tpu.memory_space<hbm>> -> memref<16384xf32, #tpu.memory_space<hbm>>
    %dma_start3A_86 = tpu.memref_slice %arg2[%add3A_84] : memref<16777216xf32, #tpu.memory_space<hbm>> -> memref<16384xf32, #tpu.memory_space<hbm>>
    tpu.enqueue_dma source(%arg3 : memref<16384xf32, #tpu.memory_space<vmem>>) target(%dma_start3A_86 : memref<16384xf32, #tpu.memory_space<hbm>>) target_semaphore(%arg4 : memref<!tpu.dma_semaphore, #tpu.memory_space<semaphore_mem>>)
    %add3A_87 = arith.constant 327680 : i32
    %add3A_88 = arith.addi %mul3A_7, %add3A_87 : i32
    %dma_start3A_89 = tpu.memref_slice %arg2[%add3A_88] : memref<16777216xf32, #tpu.memory_space<hbm>> -> memref<16384xf32, #tpu.memory_space<hbm>>
    %dma_start3A_90 = tpu.memref_slice %arg2[%add3A_88] : memref<16777216xf32, #tpu.memory_space<hbm>> -> memref<16384xf32, #tpu.memory_space<hbm>>
    tpu.enqueue_dma source(%arg3 : memref<16384xf32, #tpu.memory_space<vmem>>) target(%dma_start3A_90 : memref<16384xf32, #tpu.memory_space<hbm>>) target_semaphore(%arg4 : memref<!tpu.dma_semaphore, #tpu.memory_space<semaphore_mem>>)
    %add3A_91 = arith.constant 344064 : i32
    %add3A_92 = arith.addi %mul3A_7, %add3A_91 : i32
    %dma_start3A_93 = tpu.memref_slice %arg2[%add3A_92] : memref<16777216xf32, #tpu.memory_space<hbm>> -> memref<16384xf32, #tpu.memory_space<hbm>>
    %dma_start3A_94 = tpu.memref_slice %arg2[%add3A_92] : memref<16777216xf32, #tpu.memory_space<hbm>> -> memref<16384xf32, #tpu.memory_space<hbm>>
    tpu.enqueue_dma source(%arg3 : memref<16384xf32, #tpu.memory_space<vmem>>) target(%dma_start3A_94 : memref<16384xf32, #tpu.memory_space<hbm>>) target_semaphore(%arg4 : memref<!tpu.dma_semaphore, #tpu.memory_space<semaphore_mem>>)
    %add3A_95 = arith.constant 360448 : i32
    %add3A_96 = arith.addi %mul3A_7, %add3A_95 : i32
    %dma_start3A_97 = tpu.memref_slice %arg2[%add3A_96] : memref<16777216xf32, #tpu.memory_space<hbm>> -> memref<16384xf32, #tpu.memory_space<hbm>>
    %dma_start3A_98 = tpu.memref_slice %arg2[%add3A_96] : memref<16777216xf32, #tpu.memory_space<hbm>> -> memref<16384xf32, #tpu.memory_space<hbm>>
    tpu.enqueue_dma source(%arg3 : memref<16384xf32, #tpu.memory_space<vmem>>) target(%dma_start3A_98 : memref<16384xf32, #tpu.memory_space<hbm>>) target_semaphore(%arg4 : memref<!tpu.dma_semaphore, #tpu.memory_space<semaphore_mem>>)
    %add3A_99 = arith.constant 376832 : i32
    %add3A_100 = arith.addi %mul3A_7, %add3A_99 : i32
    %dma_start3A_101 = tpu.memref_slice %arg2[%add3A_100] : memref<16777216xf32, #tpu.memory_space<hbm>> -> memref<16384xf32, #tpu.memory_space<hbm>>
    %dma_start3A_102 = tpu.memref_slice %arg2[%add3A_100] : memref<16777216xf32, #tpu.memory_space<hbm>> -> memref<16384xf32, #tpu.memory_space<hbm>>
    tpu.enqueue_dma source(%arg3 : memref<16384xf32, #tpu.memory_space<vmem>>) target(%dma_start3A_102 : memref<16384xf32, #tpu.memory_space<hbm>>) target_semaphore(%arg4 : memref<!tpu.dma_semaphore, #tpu.memory_space<semaphore_mem>>)
    %add3A_103 = arith.constant 393216 : i32
    %add3A_104 = arith.addi %mul3A_7, %add3A_103 : i32
    %dma_start3A_105 = tpu.memref_slice %arg2[%add3A_104] : memref<16777216xf32, #tpu.memory_space<hbm>> -> memref<16384xf32, #tpu.memory_space<hbm>>
    %dma_start3A_106 = tpu.memref_slice %arg2[%add3A_104] : memref<16777216xf32, #tpu.memory_space<hbm>> -> memref<16384xf32, #tpu.memory_space<hbm>>
    tpu.enqueue_dma source(%arg3 : memref<16384xf32, #tpu.memory_space<vmem>>) target(%dma_start3A_106 : memref<16384xf32, #tpu.memory_space<hbm>>) target_semaphore(%arg4 : memref<!tpu.dma_semaphore, #tpu.memory_space<semaphore_mem>>)
    %add3A_107 = arith.constant 409600 : i32
    %add3A_108 = arith.addi %mul3A_7, %add3A_107 : i32
    %dma_start3A_109 = tpu.memref_slice %arg2[%add3A_108] : memref<16777216xf32, #tpu.memory_space<hbm>> -> memref<16384xf32, #tpu.memory_space<hbm>>
    %dma_start3A_110 = tpu.memref_slice %arg2[%add3A_108] : memref<16777216xf32, #tpu.memory_space<hbm>> -> memref<16384xf32, #tpu.memory_space<hbm>>
    tpu.enqueue_dma source(%arg3 : memref<16384xf32, #tpu.memory_space<vmem>>) target(%dma_start3A_110 : memref<16384xf32, #tpu.memory_space<hbm>>) target_semaphore(%arg4 : memref<!tpu.dma_semaphore, #tpu.memory_space<semaphore_mem>>)
    %add3A_111 = arith.constant 425984 : i32
    %add3A_112 = arith.addi %mul3A_7, %add3A_111 : i32
    %dma_start3A_113 = tpu.memref_slice %arg2[%add3A_112] : memref<16777216xf32, #tpu.memory_space<hbm>> -> memref<16384xf32, #tpu.memory_space<hbm>>
    %dma_start3A_114 = tpu.memref_slice %arg2[%add3A_112] : memref<16777216xf32, #tpu.memory_space<hbm>> -> memref<16384xf32, #tpu.memory_space<hbm>>
    tpu.enqueue_dma source(%arg3 : memref<16384xf32, #tpu.memory_space<vmem>>) target(%dma_start3A_114 : memref<16384xf32, #tpu.memory_space<hbm>>) target_semaphore(%arg4 : memref<!tpu.dma_semaphore, #tpu.memory_space<semaphore_mem>>)
    %add3A_115 = arith.constant 442368 : i32
    %add3A_116 = arith.addi %mul3A_7, %add3A_115 : i32
    %dma_start3A_117 = tpu.memref_slice %arg2[%add3A_116] : memref<16777216xf32, #tpu.memory_space<hbm>> -> memref<16384xf32, #tpu.memory_space<hbm>>
    %dma_start3A_118 = tpu.memref_slice %arg2[%add3A_116] : memref<16777216xf32, #tpu.memory_space<hbm>> -> memref<16384xf32, #tpu.memory_space<hbm>>
    tpu.enqueue_dma source(%arg3 : memref<16384xf32, #tpu.memory_space<vmem>>) target(%dma_start3A_118 : memref<16384xf32, #tpu.memory_space<hbm>>) target_semaphore(%arg4 : memref<!tpu.dma_semaphore, #tpu.memory_space<semaphore_mem>>)
    %add3A_119 = arith.constant 458752 : i32
    %add3A_120 = arith.addi %mul3A_7, %add3A_119 : i32
    %dma_start3A_121 = tpu.memref_slice %arg2[%add3A_120] : memref<16777216xf32, #tpu.memory_space<hbm>> -> memref<16384xf32, #tpu.memory_space<hbm>>
    %dma_start3A_122 = tpu.memref_slice %arg2[%add3A_120] : memref<16777216xf32, #tpu.memory_space<hbm>> -> memref<16384xf32, #tpu.memory_space<hbm>>
    tpu.enqueue_dma source(%arg3 : memref<16384xf32, #tpu.memory_space<vmem>>) target(%dma_start3A_122 : memref<16384xf32, #tpu.memory_space<hbm>>) target_semaphore(%arg4 : memref<!tpu.dma_semaphore, #tpu.memory_space<semaphore_mem>>)
    %add3A_123 = arith.constant 475136 : i32
    %add3A_124 = arith.addi %mul3A_7, %add3A_123 : i32
    %dma_start3A_125 = tpu.memref_slice %arg2[%add3A_124] : memref<16777216xf32, #tpu.memory_space<hbm>> -> memref<16384xf32, #tpu.memory_space<hbm>>
    %dma_start3A_126 = tpu.memref_slice %arg2[%add3A_124] : memref<16777216xf32, #tpu.memory_space<hbm>> -> memref<16384xf32, #tpu.memory_space<hbm>>
    tpu.enqueue_dma source(%arg3 : memref<16384xf32, #tpu.memory_space<vmem>>) target(%dma_start3A_126 : memref<16384xf32, #tpu.memory_space<hbm>>) target_semaphore(%arg4 : memref<!tpu.dma_semaphore, #tpu.memory_space<semaphore_mem>>)
    %add3A_127 = arith.constant 491520 : i32
    %add3A_128 = arith.addi %mul3A_7, %add3A_127 : i32
    %dma_start3A_129 = tpu.memref_slice %arg2[%add3A_128] : memref<16777216xf32, #tpu.memory_space<hbm>> -> memref<16384xf32, #tpu.memory_space<hbm>>
    %dma_start3A_130 = tpu.memref_slice %arg2[%add3A_128] : memref<16777216xf32, #tpu.memory_space<hbm>> -> memref<16384xf32, #tpu.memory_space<hbm>>
    tpu.enqueue_dma source(%arg3 : memref<16384xf32, #tpu.memory_space<vmem>>) target(%dma_start3A_130 : memref<16384xf32, #tpu.memory_space<hbm>>) target_semaphore(%arg4 : memref<!tpu.dma_semaphore, #tpu.memory_space<semaphore_mem>>)
    %add3A_131 = arith.constant 507904 : i32
    %add3A_132 = arith.addi %mul3A_7, %add3A_131 : i32
    %dma_start3A_133 = tpu.memref_slice %arg2[%add3A_132] : memref<16777216xf32, #tpu.memory_space<hbm>> -> memref<16384xf32, #tpu.memory_space<hbm>>
    %dma_start3A_134 = tpu.memref_slice %arg2[%add3A_132] : memref<16777216xf32, #tpu.memory_space<hbm>> -> memref<16384xf32, #tpu.memory_space<hbm>>
    tpu.enqueue_dma source(%arg3 : memref<16384xf32, #tpu.memory_space<vmem>>) target(%dma_start3A_134 : memref<16384xf32, #tpu.memory_space<hbm>>) target_semaphore(%arg4 : memref<!tpu.dma_semaphore, #tpu.memory_space<semaphore_mem>>)
    %dma_wait3A = tpu.memref_slice %arg2[%add3A_9] : memref<16777216xf32, #tpu.memory_space<hbm>> -> memref<16384xf32, #tpu.memory_space<hbm>>
    %dma_wait3A_135 = tpu.memref_slice %arg2[%add3A_9] : memref<16777216xf32, #tpu.memory_space<hbm>> -> memref<16384xf32, #tpu.memory_space<hbm>>
    tpu.wait_dma2 semaphore(%arg4 : memref<!tpu.dma_semaphore, #tpu.memory_space<semaphore_mem>>) src(%arg3 : memref<16384xf32, #tpu.memory_space<vmem>>) dst(%dma_wait3A_135 : memref<16384xf32, #tpu.memory_space<hbm>>)
    %dma_wait3A_136 = tpu.memref_slice %arg2[%add3A_12] : memref<16777216xf32, #tpu.memory_space<hbm>> -> memref<16384xf32, #tpu.memory_space<hbm>>
    %dma_wait3A_137 = tpu.memref_slice %arg2[%add3A_12] : memref<16777216xf32, #tpu.memory_space<hbm>> -> memref<16384xf32, #tpu.memory_space<hbm>>
    tpu.wait_dma2 semaphore(%arg4 : memref<!tpu.dma_semaphore, #tpu.memory_space<semaphore_mem>>) src(%arg3 : memref<16384xf32, #tpu.memory_space<vmem>>) dst(%dma_wait3A_137 : memref<16384xf32, #tpu.memory_space<hbm>>)
    %dma_wait3A_138 = tpu.memref_slice %arg2[%add3A_16] : memref<16777216xf32, #tpu.memory_space<hbm>> -> memref<16384xf32, #tpu.memory_space<hbm>>
    %dma_wait3A_139 = tpu.memref_slice %arg2[%add3A_16] : memref<16777216xf32, #tpu.memory_space<hbm>> -> memref<16384xf32, #tpu.memory_space<hbm>>
    tpu.wait_dma2 semaphore(%arg4 : memref<!tpu.dma_semaphore, #tpu.memory_space<semaphore_mem>>) src(%arg3 : memref<16384xf32, #tpu.memory_space<vmem>>) dst(%dma_wait3A_139 : memref<16384xf32, #tpu.memory_space<hbm>>)
    %dma_wait3A_140 = tpu.memref_slice %arg2[%add3A_20] : memref<16777216xf32, #tpu.memory_space<hbm>> -> memref<16384xf32, #tpu.memory_space<hbm>>
    %dma_wait3A_141 = tpu.memref_slice %arg2[%add3A_20] : memref<16777216xf32, #tpu.memory_space<hbm>> -> memref<16384xf32, #tpu.memory_space<hbm>>
    tpu.wait_dma2 semaphore(%arg4 : memref<!tpu.dma_semaphore, #tpu.memory_space<semaphore_mem>>) src(%arg3 : memref<16384xf32, #tpu.memory_space<vmem>>) dst(%dma_wait3A_141 : memref<16384xf32, #tpu.memory_space<hbm>>)
    %dma_wait3A_142 = tpu.memref_slice %arg2[%add3A_24] : memref<16777216xf32, #tpu.memory_space<hbm>> -> memref<16384xf32, #tpu.memory_space<hbm>>
    %dma_wait3A_143 = tpu.memref_slice %arg2[%add3A_24] : memref<16777216xf32, #tpu.memory_space<hbm>> -> memref<16384xf32, #tpu.memory_space<hbm>>
    tpu.wait_dma2 semaphore(%arg4 : memref<!tpu.dma_semaphore, #tpu.memory_space<semaphore_mem>>) src(%arg3 : memref<16384xf32, #tpu.memory_space<vmem>>) dst(%dma_wait3A_143 : memref<16384xf32, #tpu.memory_space<hbm>>)
    %dma_wait3A_144 = tpu.memref_slice %arg2[%add3A_28] : memref<16777216xf32, #tpu.memory_space<hbm>> -> memref<16384xf32, #tpu.memory_space<hbm>>
    %dma_wait3A_145 = tpu.memref_slice %arg2[%add3A_28] : memref<16777216xf32, #tpu.memory_space<hbm>> -> memref<16384xf32, #tpu.memory_space<hbm>>
    tpu.wait_dma2 semaphore(%arg4 : memref<!tpu.dma_semaphore, #tpu.memory_space<semaphore_mem>>) src(%arg3 : memref<16384xf32, #tpu.memory_space<vmem>>) dst(%dma_wait3A_145 : memref<16384xf32, #tpu.memory_space<hbm>>)
    %dma_wait3A_146 = tpu.memref_slice %arg2[%add3A_32] : memref<16777216xf32, #tpu.memory_space<hbm>> -> memref<16384xf32, #tpu.memory_space<hbm>>
    %dma_wait3A_147 = tpu.memref_slice %arg2[%add3A_32] : memref<16777216xf32, #tpu.memory_space<hbm>> -> memref<16384xf32, #tpu.memory_space<hbm>>
    tpu.wait_dma2 semaphore(%arg4 : memref<!tpu.dma_semaphore, #tpu.memory_space<semaphore_mem>>) src(%arg3 : memref<16384xf32, #tpu.memory_space<vmem>>) dst(%dma_wait3A_147 : memref<16384xf32, #tpu.memory_space<hbm>>)
    %dma_wait3A_148 = tpu.memref_slice %arg2[%add3A_36] : memref<16777216xf32, #tpu.memory_space<hbm>> -> memref<16384xf32, #tpu.memory_space<hbm>>
    %dma_wait3A_149 = tpu.memref_slice %arg2[%add3A_36] : memref<16777216xf32, #tpu.memory_space<hbm>> -> memref<16384xf32, #tpu.memory_space<hbm>>
    tpu.wait_dma2 semaphore(%arg4 : memref<!tpu.dma_semaphore, #tpu.memory_space<semaphore_mem>>) src(%arg3 : memref<16384xf32, #tpu.memory_space<vmem>>) dst(%dma_wait3A_149 : memref<16384xf32, #tpu.memory_space<hbm>>)
    %dma_wait3A_150 = tpu.memref_slice %arg2[%add3A_40] : memref<16777216xf32, #tpu.memory_space<hbm>> -> memref<16384xf32, #tpu.memory_space<hbm>>
    %dma_wait3A_151 = tpu.memref_slice %arg2[%add3A_40] : memref<16777216xf32, #tpu.memory_space<hbm>> -> memref<16384xf32, #tpu.memory_space<hbm>>
    tpu.wait_dma2 semaphore(%arg4 : memref<!tpu.dma_semaphore, #tpu.memory_space<semaphore_mem>>) src(%arg3 : memref<16384xf32, #tpu.memory_space<vmem>>) dst(%dma_wait3A_151 : memref<16384xf32, #tpu.memory_space<hbm>>)
    %dma_wait3A_152 = tpu.memref_slice %arg2[%add3A_44] : memref<16777216xf32, #tpu.memory_space<hbm>> -> memref<16384xf32, #tpu.memory_space<hbm>>
    %dma_wait3A_153 = tpu.memref_slice %arg2[%add3A_44] : memref<16777216xf32, #tpu.memory_space<hbm>> -> memref<16384xf32, #tpu.memory_space<hbm>>
    tpu.wait_dma2 semaphore(%arg4 : memref<!tpu.dma_semaphore, #tpu.memory_space<semaphore_mem>>) src(%arg3 : memref<16384xf32, #tpu.memory_space<vmem>>) dst(%dma_wait3A_153 : memref<16384xf32, #tpu.memory_space<hbm>>)
    %dma_wait3A_154 = tpu.memref_slice %arg2[%add3A_48] : memref<16777216xf32, #tpu.memory_space<hbm>> -> memref<16384xf32, #tpu.memory_space<hbm>>
    %dma_wait3A_155 = tpu.memref_slice %arg2[%add3A_48] : memref<16777216xf32, #tpu.memory_space<hbm>> -> memref<16384xf32, #tpu.memory_space<hbm>>
    tpu.wait_dma2 semaphore(%arg4 : memref<!tpu.dma_semaphore, #tpu.memory_space<semaphore_mem>>) src(%arg3 : memref<16384xf32, #tpu.memory_space<vmem>>) dst(%dma_wait3A_155 : memref<16384xf32, #tpu.memory_space<hbm>>)
    %dma_wait3A_156 = tpu.memref_slice %arg2[%add3A_52] : memref<16777216xf32, #tpu.memory_space<hbm>> -> memref<16384xf32, #tpu.memory_space<hbm>>
    %dma_wait3A_157 = tpu.memref_slice %arg2[%add3A_52] : memref<16777216xf32, #tpu.memory_space<hbm>> -> memref<16384xf32, #tpu.memory_space<hbm>>
    tpu.wait_dma2 semaphore(%arg4 : memref<!tpu.dma_semaphore, #tpu.memory_space<semaphore_mem>>) src(%arg3 : memref<16384xf32, #tpu.memory_space<vmem>>) dst(%dma_wait3A_157 : memref<16384xf32, #tpu.memory_space<hbm>>)
    %dma_wait3A_158 = tpu.memref_slice %arg2[%add3A_56] : memref<16777216xf32, #tpu.memory_space<hbm>> -> memref<16384xf32, #tpu.memory_space<hbm>>
    %dma_wait3A_159 = tpu.memref_slice %arg2[%add3A_56] : memref<16777216xf32, #tpu.memory_space<hbm>> -> memref<16384xf32, #tpu.memory_space<hbm>>
    tpu.wait_dma2 semaphore(%arg4 : memref<!tpu.dma_semaphore, #tpu.memory_space<semaphore_mem>>) src(%arg3 : memref<16384xf32, #tpu.memory_space<vmem>>) dst(%dma_wait3A_159 : memref<16384xf32, #tpu.memory_space<hbm>>)
    %dma_wait3A_160 = tpu.memref_slice %arg2[%add3A_60] : memref<16777216xf32, #tpu.memory_space<hbm>> -> memref<16384xf32, #tpu.memory_space<hbm>>
    %dma_wait3A_161 = tpu.memref_slice %arg2[%add3A_60] : memref<16777216xf32, #tpu.memory_space<hbm>> -> memref<16384xf32, #tpu.memory_space<hbm>>
    tpu.wait_dma2 semaphore(%arg4 : memref<!tpu.dma_semaphore, #tpu.memory_space<semaphore_mem>>) src(%arg3 : memref<16384xf32, #tpu.memory_space<vmem>>) dst(%dma_wait3A_161 : memref<16384xf32, #tpu.memory_space<hbm>>)
    %dma_wait3A_162 = tpu.memref_slice %arg2[%add3A_64] : memref<16777216xf32, #tpu.memory_space<hbm>> -> memref<16384xf32, #tpu.memory_space<hbm>>
    %dma_wait3A_163 = tpu.memref_slice %arg2[%add3A_64] : memref<16777216xf32, #tpu.memory_space<hbm>> -> memref<16384xf32, #tpu.memory_space<hbm>>
    tpu.wait_dma2 semaphore(%arg4 : memref<!tpu.dma_semaphore, #tpu.memory_space<semaphore_mem>>) src(%arg3 : memref<16384xf32, #tpu.memory_space<vmem>>) dst(%dma_wait3A_163 : memref<16384xf32, #tpu.memory_space<hbm>>)
    %dma_wait3A_164 = tpu.memref_slice %arg2[%add3A_68] : memref<16777216xf32, #tpu.memory_space<hbm>> -> memref<16384xf32, #tpu.memory_space<hbm>>
    %dma_wait3A_165 = tpu.memref_slice %arg2[%add3A_68] : memref<16777216xf32, #tpu.memory_space<hbm>> -> memref<16384xf32, #tpu.memory_space<hbm>>
    tpu.wait_dma2 semaphore(%arg4 : memref<!tpu.dma_semaphore, #tpu.memory_space<semaphore_mem>>) src(%arg3 : memref<16384xf32, #tpu.memory_space<vmem>>) dst(%dma_wait3A_165 : memref<16384xf32, #tpu.memory_space<hbm>>)
    %dma_wait3A_166 = tpu.memref_slice %arg2[%add3A_72] : memref<16777216xf32, #tpu.memory_space<hbm>> -> memref<16384xf32, #tpu.memory_space<hbm>>
    %dma_wait3A_167 = tpu.memref_slice %arg2[%add3A_72] : memref<16777216xf32, #tpu.memory_space<hbm>> -> memref<16384xf32, #tpu.memory_space<hbm>>
    tpu.wait_dma2 semaphore(%arg4 : memref<!tpu.dma_semaphore, #tpu.memory_space<semaphore_mem>>) src(%arg3 : memref<16384xf32, #tpu.memory_space<vmem>>) dst(%dma_wait3A_167 : memref<16384xf32, #tpu.memory_space<hbm>>)
    %dma_wait3A_168 = tpu.memref_slice %arg2[%add3A_76] : memref<16777216xf32, #tpu.memory_space<hbm>> -> memref<16384xf32, #tpu.memory_space<hbm>>
    %dma_wait3A_169 = tpu.memref_slice %arg2[%add3A_76] : memref<16777216xf32, #tpu.memory_space<hbm>> -> memref<16384xf32, #tpu.memory_space<hbm>>
    tpu.wait_dma2 semaphore(%arg4 : memref<!tpu.dma_semaphore, #tpu.memory_space<semaphore_mem>>) src(%arg3 : memref<16384xf32, #tpu.memory_space<vmem>>) dst(%dma_wait3A_169 : memref<16384xf32, #tpu.memory_space<hbm>>)
    %dma_wait3A_170 = tpu.memref_slice %arg2[%add3A_80] : memref<16777216xf32, #tpu.memory_space<hbm>> -> memref<16384xf32, #tpu.memory_space<hbm>>
    %dma_wait3A_171 = tpu.memref_slice %arg2[%add3A_80] : memref<16777216xf32, #tpu.memory_space<hbm>> -> memref<16384xf32, #tpu.memory_space<hbm>>
    tpu.wait_dma2 semaphore(%arg4 : memref<!tpu.dma_semaphore, #tpu.memory_space<semaphore_mem>>) src(%arg3 : memref<16384xf32, #tpu.memory_space<vmem>>) dst(%dma_wait3A_171 : memref<16384xf32, #tpu.memory_space<hbm>>)
    %dma_wait3A_172 = tpu.memref_slice %arg2[%add3A_84] : memref<16777216xf32, #tpu.memory_space<hbm>> -> memref<16384xf32, #tpu.memory_space<hbm>>
    %dma_wait3A_173 = tpu.memref_slice %arg2[%add3A_84] : memref<16777216xf32, #tpu.memory_space<hbm>> -> memref<16384xf32, #tpu.memory_space<hbm>>
    tpu.wait_dma2 semaphore(%arg4 : memref<!tpu.dma_semaphore, #tpu.memory_space<semaphore_mem>>) src(%arg3 : memref<16384xf32, #tpu.memory_space<vmem>>) dst(%dma_wait3A_173 : memref<16384xf32, #tpu.memory_space<hbm>>)
    %dma_wait3A_174 = tpu.memref_slice %arg2[%add3A_88] : memref<16777216xf32, #tpu.memory_space<hbm>> -> memref<16384xf32, #tpu.memory_space<hbm>>
    %dma_wait3A_175 = tpu.memref_slice %arg2[%add3A_88] : memref<16777216xf32, #tpu.memory_space<hbm>> -> memref<16384xf32, #tpu.memory_space<hbm>>
    tpu.wait_dma2 semaphore(%arg4 : memref<!tpu.dma_semaphore, #tpu.memory_space<semaphore_mem>>) src(%arg3 : memref<16384xf32, #tpu.memory_space<vmem>>) dst(%dma_wait3A_175 : memref<16384xf32, #tpu.memory_space<hbm>>)
    %dma_wait3A_176 = tpu.memref_slice %arg2[%add3A_92] : memref<16777216xf32, #tpu.memory_space<hbm>> -> memref<16384xf32, #tpu.memory_space<hbm>>
    %dma_wait3A_177 = tpu.memref_slice %arg2[%add3A_92] : memref<16777216xf32, #tpu.memory_space<hbm>> -> memref<16384xf32, #tpu.memory_space<hbm>>
    tpu.wait_dma2 semaphore(%arg4 : memref<!tpu.dma_semaphore, #tpu.memory_space<semaphore_mem>>) src(%arg3 : memref<16384xf32, #tpu.memory_space<vmem>>) dst(%dma_wait3A_177 : memref<16384xf32, #tpu.memory_space<hbm>>)
    %dma_wait3A_178 = tpu.memref_slice %arg2[%add3A_96] : memref<16777216xf32, #tpu.memory_space<hbm>> -> memref<16384xf32, #tpu.memory_space<hbm>>
    %dma_wait3A_179 = tpu.memref_slice %arg2[%add3A_96] : memref<16777216xf32, #tpu.memory_space<hbm>> -> memref<16384xf32, #tpu.memory_space<hbm>>
    tpu.wait_dma2 semaphore(%arg4 : memref<!tpu.dma_semaphore, #tpu.memory_space<semaphore_mem>>) src(%arg3 : memref<16384xf32, #tpu.memory_space<vmem>>) dst(%dma_wait3A_179 : memref<16384xf32, #tpu.memory_space<hbm>>)
    %dma_wait3A_180 = tpu.memref_slice %arg2[%add3A_100] : memref<16777216xf32, #tpu.memory_space<hbm>> -> memref<16384xf32, #tpu.memory_space<hbm>>
    %dma_wait3A_181 = tpu.memref_slice %arg2[%add3A_100] : memref<16777216xf32, #tpu.memory_space<hbm>> -> memref<16384xf32, #tpu.memory_space<hbm>>
    tpu.wait_dma2 semaphore(%arg4 : memref<!tpu.dma_semaphore, #tpu.memory_space<semaphore_mem>>) src(%arg3 : memref<16384xf32, #tpu.memory_space<vmem>>) dst(%dma_wait3A_181 : memref<16384xf32, #tpu.memory_space<hbm>>)
    %dma_wait3A_182 = tpu.memref_slice %arg2[%add3A_104] : memref<16777216xf32, #tpu.memory_space<hbm>> -> memref<16384xf32, #tpu.memory_space<hbm>>
    %dma_wait3A_183 = tpu.memref_slice %arg2[%add3A_104] : memref<16777216xf32, #tpu.memory_space<hbm>> -> memref<16384xf32, #tpu.memory_space<hbm>>
    tpu.wait_dma2 semaphore(%arg4 : memref<!tpu.dma_semaphore, #tpu.memory_space<semaphore_mem>>) src(%arg3 : memref<16384xf32, #tpu.memory_space<vmem>>) dst(%dma_wait3A_183 : memref<16384xf32, #tpu.memory_space<hbm>>)
    %dma_wait3A_184 = tpu.memref_slice %arg2[%add3A_108] : memref<16777216xf32, #tpu.memory_space<hbm>> -> memref<16384xf32, #tpu.memory_space<hbm>>
    %dma_wait3A_185 = tpu.memref_slice %arg2[%add3A_108] : memref<16777216xf32, #tpu.memory_space<hbm>> -> memref<16384xf32, #tpu.memory_space<hbm>>
    tpu.wait_dma2 semaphore(%arg4 : memref<!tpu.dma_semaphore, #tpu.memory_space<semaphore_mem>>) src(%arg3 : memref<16384xf32, #tpu.memory_space<vmem>>) dst(%dma_wait3A_185 : memref<16384xf32, #tpu.memory_space<hbm>>)
    %dma_wait3A_186 = tpu.memref_slice %arg2[%add3A_112] : memref<16777216xf32, #tpu.memory_space<hbm>> -> memref<16384xf32, #tpu.memory_space<hbm>>
    %dma_wait3A_187 = tpu.memref_slice %arg2[%add3A_112] : memref<16777216xf32, #tpu.memory_space<hbm>> -> memref<16384xf32, #tpu.memory_space<hbm>>
    tpu.wait_dma2 semaphore(%arg4 : memref<!tpu.dma_semaphore, #tpu.memory_space<semaphore_mem>>) src(%arg3 : memref<16384xf32, #tpu.memory_space<vmem>>) dst(%dma_wait3A_187 : memref<16384xf32, #tpu.memory_space<hbm>>)
    %dma_wait3A_188 = tpu.memref_slice %arg2[%add3A_116] : memref<16777216xf32, #tpu.memory_space<hbm>> -> memref<16384xf32, #tpu.memory_space<hbm>>
    %dma_wait3A_189 = tpu.memref_slice %arg2[%add3A_116] : memref<16777216xf32, #tpu.memory_space<hbm>> -> memref<16384xf32, #tpu.memory_space<hbm>>
    tpu.wait_dma2 semaphore(%arg4 : memref<!tpu.dma_semaphore, #tpu.memory_space<semaphore_mem>>) src(%arg3 : memref<16384xf32, #tpu.memory_space<vmem>>) dst(%dma_wait3A_189 : memref<16384xf32, #tpu.memory_space<hbm>>)
    %dma_wait3A_190 = tpu.memref_slice %arg2[%add3A_120] : memref<16777216xf32, #tpu.memory_space<hbm>> -> memref<16384xf32, #tpu.memory_space<hbm>>
    %dma_wait3A_191 = tpu.memref_slice %arg2[%add3A_120] : memref<16777216xf32, #tpu.memory_space<hbm>> -> memref<16384xf32, #tpu.memory_space<hbm>>
    tpu.wait_dma2 semaphore(%arg4 : memref<!tpu.dma_semaphore, #tpu.memory_space<semaphore_mem>>) src(%arg3 : memref<16384xf32, #tpu.memory_space<vmem>>) dst(%dma_wait3A_191 : memref<16384xf32, #tpu.memory_space<hbm>>)
    %dma_wait3A_192 = tpu.memref_slice %arg2[%add3A_124] : memref<16777216xf32, #tpu.memory_space<hbm>> -> memref<16384xf32, #tpu.memory_space<hbm>>
    %dma_wait3A_193 = tpu.memref_slice %arg2[%add3A_124] : memref<16777216xf32, #tpu.memory_space<hbm>> -> memref<16384xf32, #tpu.memory_space<hbm>>
    tpu.wait_dma2 semaphore(%arg4 : memref<!tpu.dma_semaphore, #tpu.memory_space<semaphore_mem>>) src(%arg3 : memref<16384xf32, #tpu.memory_space<vmem>>) dst(%dma_wait3A_193 : memref<16384xf32, #tpu.memory_space<hbm>>)
    %dma_wait3A_194 = tpu.memref_slice %arg2[%add3A_128] : memref<16777216xf32, #tpu.memory_space<hbm>> -> memref<16384xf32, #tpu.memory_space<hbm>>
    %dma_wait3A_195 = tpu.memref_slice %arg2[%add3A_128] : memref<16777216xf32, #tpu.memory_space<hbm>> -> memref<16384xf32, #tpu.memory_space<hbm>>
    tpu.wait_dma2 semaphore(%arg4 : memref<!tpu.dma_semaphore, #tpu.memory_space<semaphore_mem>>) src(%arg3 : memref<16384xf32, #tpu.memory_space<vmem>>) dst(%dma_wait3A_195 : memref<16384xf32, #tpu.memory_space<hbm>>)
    %dma_wait3A_196 = tpu.memref_slice %arg2[%add3A_132] : memref<16777216xf32, #tpu.memory_space<hbm>> -> memref<16384xf32, #tpu.memory_space<hbm>>
    %dma_wait3A_197 = tpu.memref_slice %arg2[%add3A_132] : memref<16777216xf32, #tpu.memory_space<hbm>> -> memref<16384xf32, #tpu.memory_space<hbm>>
    tpu.wait_dma2 semaphore(%arg4 : memref<!tpu.dma_semaphore, #tpu.memory_space<semaphore_mem>>) src(%arg3 : memref<16384xf32, #tpu.memory_space<vmem>>) dst(%dma_wait3A_197 : memref<16384xf32, #tpu.memory_space<hbm>>)
    return
  }
}

module attributes {stable_mosaic.version = 14 : i64} {
  func.func @_moe_router_kernel(%arg0: i32, %arg1: memref<512x4096xf32, #tpu.memory_space<vmem>>, %arg2: memref<4096x64xf32, #tpu.memory_space<vmem>>, %arg3: memref<512x64xf32, #tpu.memory_space<vmem>>) attributes {dimension_semantics = [#tpu.dimension_semantics<arbitrary>], iteration_bounds = array<i64: 8>, scalar_prefetch = 0 : i64, scratch_operands = 0 : i64, tpu.core_type = #tpu.core_type<tc>, window_params = [{transform_indices = @transform_0, window_bounds = array<i64: 512, 4096>}, {pipeline_mode = #tpu.pipeline_mode<synchronous>, transform_indices = @transform_1, window_bounds = array<i64: 4096, 64>}, {transform_indices = @transform_2, window_bounds = array<i64: 512, 64>}]} {
    %get3A = arith.constant 0 : index
    %get3A_0 = arith.constant 0 : index
    %get3A_1 = vector.load %arg1[%get3A, %get3A_0] : memref<512x4096xf32, #tpu.memory_space<vmem>>, vector<512x4096xf32>
    %get3A_2 = arith.constant 0 : index
    %get3A_3 = arith.constant 0 : index
    %get3A_4 = vector.load %arg2[%get3A_2, %get3A_3] : memref<4096x64xf32, #tpu.memory_space<vmem>>, vector<4096x64xf32>
    %dot_general3A = arith.constant dense<0.000000e+00> : vector<512x64xf32>
    %dot_general3A_5 = tpu.matmul %get3A_1, %get3A_4, %dot_general3A {dimension_numbers = #tpu.dot_dimension_numbers<[1], [0], [0], [1], [0, 0, 1, 1], [], []>, transpose_lhs_hint = false} : vector<512x4096xf32>, vector<4096x64xf32>, vector<512x64xf32> -> vector<512x64xf32>
    %swap3A = arith.constant 0 : index
    %swap3A_6 = arith.constant 0 : index
    %swap3A_7 = vector.load %arg3[%swap3A, %swap3A_6] : memref<512x64xf32, #tpu.memory_space<vmem>>, vector<512x64xf32>
    tpu.vector_store %arg3[%swap3A, %swap3A_6], %dot_general3A_5 {strides = array<i32>} : memref<512x64xf32, #tpu.memory_space<vmem>>, vector<512x64xf32>,
    return
  }
  func.func @transform_0(%arg0: i32) -> (i32, i32) {
    %c0_i32 = arith.constant 0 : i32
    %c0_i32_0 = arith.constant 0 : i32
    return %arg0, %c0_i32 : i32, i32
  }
  func.func @transform_1(%arg0: i32) -> (i32, i32) {
    %c0_i32 = arith.constant 0 : i32
    %c0_i32_0 = arith.constant 0 : i32
    %c0_i32_1 = arith.constant 0 : i32
    return %c0_i32, %c0_i32_0 : i32, i32
  }
  func.func @transform_2(%arg0: i32) -> (i32, i32) {
    %c0_i32 = arith.constant 0 : i32
    %c0_i32_0 = arith.constant 0 : i32
    return %arg0, %c0_i32 : i32, i32
  }
}

</mosaic_0001>

<sc_bundles>
// kernel: kernel.4.cloned.1.call-start
scs
__scs_entry_jumppad:
0x0: {  	(pc) =	sbr.rel $0x88, $3  }
0x1: {  	(tag) =	ssettag $0x0;
	lr =	simm.s32 $0x1  }
0x2: {  	[smem:$0x3F9F] =	sst lr;
	_ =	strace $0xD0000000  }
0x3: {  	_ = 	snop  }
0x4: {  	_ = 	snop  }
0x5: {  	_ = 	snop  }
0x6: {  	_ = 	snop  }
0x7: {  	_ = 	snop  }
__scs_overlays_trampoline_lowered:
0x8: {  	[smem:$0x3FAE] =	sst s0  }
0x9: {  	[smem:$0x3FAF] =	sst s1  }
0xa: {  	[smem:$0x3FB0] =	sst s2  }
0xb: {  	[smem:$0x3FB1] =	sst s3  }
0xc: {  	[smem:$0x3FB2] =	sst s4  }
0xd: {  	[smem:$0x3FB3] =	sst s5  }
0xe: {  	[smem:$0x3FB4] =	sst s6  }
0xf: {  	[smem:$0x3FB5] =	sst s7  }
0x10: {  	[smem:$0x3FB6] =	sst s8  }
0x11: {  	[smem:$0x3FB7] =	sst s9;
	s0 =	simm.s32 @!p0 $0x0  }
0x12: {  	s1 =	sld [smem:$0x3F9D];
	s0 =	simm.s32 @p0 $0x1  }
0x13: {  	[smem:$0x3FB8] =	sst s0;
	s0 =	simm.s32 @!p1 $0x0  }
0x14: {  	s2 =	sld [smem:$0x3F9C];
	s0 =	simm.s32 @p1 $0x1  }
0x15: {  	[smem:$0x3FB9] =	sst s0;
	s0 =	simm.s32 @!p2 $0x0  }
0x16: {  	s3 =	sld [smem:$0x3FDB];
	s0 =	simm.s32 @p2 $0x1  }
0x17: {  	s4 =	simm.s32 $0x1BF5;
	[smem:$0x3FBB] =	sst s0  }
0x18: {  	s0 =	sld [smem:$0x3F9E];
	_ =	swait.ge [sflag:s4], $0x0  }
0x19: {  	s7 =	sld [smem:$0x3F9F]  }
0x1a: {  	s8 =	sadd.s32 $0xFFFFE003, lr  }
0x1b: {  	s9 =	sadd.s32 $0xFFFFFEF7, lr;
	s5 =	simm.s32 $0xFFFFFFFF;
	p2 =	slt.u32 s8, $0xFFFFF086  }
0x1c: {  	p1 =	slt.u32 s9, $0xF7A;
	s5 =	simm.s32 @!p2 $0x0  }
0x1d: {  	s5 =	simm.s32 @p1 $0x1;
	p0 =	seq.s32 s7, s2  }
0x1e: {  	s7 =	smul.u32 @!p0 $0xF7A, s2;
	p2 =	seq.s32 @!p0 s5, $0x0  }
0x1f: {  	s9 =	smul.u32 $0xF7A, s1;
	s8 =	simm.s32 @!p0 $0x1BF5;
	p2 =	por !p2, p0  }
0x20: {  	[sflag:s8] =	ssyncset.s32 @!p0 $0xFFFFF086;
	s6 =	sadd.s32 @!p0 s3, s7;
	s7 =	simm.s32 @!p0 $0x108  }
0x21: {  	s3 =	sadd.s32 s3, s9;
	s6 =	sadd.s32 @!p0 $0x88, s6;
	s7 =	simm.s32 @p2 $0x1082  }
0x22: {  	[simem:s7], [sflag:s8] =	dma.local @!p0 [hbm:s6], $0xF7A  }
0x23: {  	s9 =	sor.u32 $0xD0000000, s2;
	s6 =	simm.s32 $0x108;
	_ =	swait.ge @!p0 [sflag:s8], $0x0  }
0x24: {  	s3 =	sadd.s32 $0x88, s3;
	s6 =	simm.s32 @!p1 $0x1082;
	[sflag:s4] =	ssyncset.s32 $0xFFFFF086  }
0x25: {  	[simem:s6], [sflag:s4] =	dma.local [hbm:s3], $0xF7A  }
0x26: {  	[smem:$0x3F9F] =	sst s1;
	(tag) =	ssettag s2;
	_ =	strace s9  }
0x27: {  	s1 =	sld [smem:$0x3FAF]  }
0x28: {  	s2 =	sld [smem:$0x3FB0]  }
0x29: {  	s4 =	sld [smem:$0x3FB2]  }
0x2a: {  	p0 =	seq.s32 s5, $0x0;
	s5 =	sld [smem:$0x3FB3]  }
0x2b: {  	s6 =	sld [smem:$0x3FB4]  }
0x2c: {  	s7 =	sld [smem:$0x3FB5]  }
0x2d: {  	s3 =	simm.s32 $0x108;
	s8 =	sld [smem:$0x3FB6]  }
0x2e: {  	s3 =	simm.s32 @!p0 $0x1082;
	s9 =	sld [smem:$0x3FB7]  }
0x2f: {  	lr =	sadd.s32 s0, s3;
	s0 =	sld [smem:$0x3FAE]  }
0x30: {  	s3 =	sld [smem:$0x3FB1]  }
0x31: {  	[smem:$0x3FBA] =	sst s10  }
0x32: {  	s10 =	sld [smem:$0x3FB8];
	_ =	sdelay $0x3  }
0x33: {  	p0 =	seq.s32 s10, $0x1;
	s10 =	sld [smem:$0x3FBA];
	_ =	sdelay $0x3  }
0x34: {  	[smem:$0x3FBA] =	sst s10  }
0x35: {  	s10 =	sld [smem:$0x3FB9];
	_ =	sdelay $0x3  }
0x36: {  	p1 =	seq.s32 s10, $0x1;
	s10 =	sld [smem:$0x3FBA];
	_ =	sdelay $0x3  }
0x37: {  	[smem:$0x3FBA] =	sst s10  }
0x38: {  	s10 =	sld [smem:$0x3FBB]  }
0x39: {  	_ = 	snop;
	(pc) =	sbr.ind lr, $3  }
0x3a: {  	_ = 	snop  }
0x3b: {  	_ = 	snop  }
0x3c: {  	p2 =	seq.s32 s10, $0x1;
	s10 =	sld [smem:$0x3FBA]  }
0x3d: {  	_ =	shalt  }
0x3e: {  	_ =	shalt  }
0x3f: {  	_ =	shalt  }
0x40: {  	_ =	shalt  }
0x41: {  	_ =	shalt  }
0x42: {  	_ =	shalt  }
0x43: {  	_ =	shalt  }
0x44: {  	_ =	shalt  }
0x45: {  	_ =	shalt  }
0x46: {  	_ =	shalt  }
0x47: {  	_ =	shalt  }
0x48: {  	_ =	shalt  }
0x49: {  	_ =	shalt  }
0x4a: {  	_ =	shalt  }
0x4b: {  	_ =	shalt  }
0x4c: {  	_ =	shalt  }
0x4d: {  	_ =	shalt  }
0x4e: {  	_ =	shalt  }
0x4f: {  	_ =	shalt  }
0x50: {  	_ =	shalt  }
0x51: {  	_ =	shalt  }
0x52: {  	_ =	shalt  }
0x53: {  	_ =	shalt  }
0x54: {  	_ =	shalt  }
0x55: {  	_ =	shalt  }
0x56: {  	_ =	shalt  }
0x57: {  	_ =	shalt  }
0x58: {  	_ =	shalt  }
0x59: {  	_ =	shalt  }
0x5a: {  	_ =	shalt  }
0x5b: {  	_ =	shalt  }
0x5c: {  	_ =	shalt  }
0x5d: {  	_ =	shalt  }
0x5e: {  	_ =	shalt  }
0x5f: {  	_ =	shalt  }
0x60: {  	_ =	shalt  }
0x61: {  	_ =	shalt  }
0x62: {  	_ =	shalt  }
0x63: {  	_ =	shalt  }
0x64: {  	_ =	shalt  }
0x65: {  	_ =	shalt  }
0x66: {  	_ =	shalt  }
0x67: {  	_ =	shalt  }
0x68: {  	_ =	shalt  }
0x69: {  	_ =	shalt  }
0x6a: {  	_ =	shalt  }
0x6b: {  	_ =	shalt  }
0x6c: {  	_ =	shalt  }
0x6d: {  	_ =	shalt  }
0x6e: {  	_ =	shalt  }
0x6f: {  	_ =	shalt  }
0x70: {  	_ =	shalt  }
0x71: {  	_ =	shalt  }
0x72: {  	_ =	shalt  }
0x73: {  	_ =	shalt  }
0x74: {  	_ =	shalt  }
0x75: {  	_ =	shalt  }
0x76: {  	_ =	shalt  }
0x77: {  	_ =	shalt  }
0x78: {  	_ =	shalt  }
0x79: {  	_ =	shalt  }
0x7a: {  	_ =	shalt  }
0x7b: {  	_ =	shalt  }
0x7c: {  	_ =	shalt  }
0x7d: {  	_ =	shalt  }
0x7e: {  	_ =	shalt  }
0x7f: {  	_ =	shalt  }
0x80: {  	_ =	shalt  }
0x81: {  	_ =	shalt  }
0x82: {  	_ =	shalt  }
0x83: {  	_ =	shalt  }
0x84: {  	_ =	shalt  }
0x85: {  	_ =	shalt  }
0x86: {  	_ =	shalt  }
0x87: {  	_ =	shalt  }
.Lfunc_end0:
.L_simem_size_0:
called_computation_lowered:
.L_overlay_start_0:
0x88: {  	s2 =	sld [smem:$0x3FD9]  }
0x89: {  	s3 =	sld [smem:$0x3FFE];
	_ =	sdelay $0x1  }
0x8a: {  	s1 =	srdreg.scid  }
0x8b: {  	s0 =	sand.u32 $0x1, s1  }
0x8c: {  	s16 =	sshll.u32 s0, $0xA;
	s2 =	sadd.s32 s3, s2  }
0x8d: {  	s2 =	sadd.s32 s2, s16  }
0x8e: {  	[smem:$0x3FC6] =	sst s2  }
0x8f: {  	_ = 	snop  }
0x90: {  	(tm) =	ssettm $0x1  }
0x91: {  	s17 =	sld [smem:$0x3FFB];
	_ =	sdelay $0x3  }
0x92: {  	_ =	strace s17  }
0x93: {  	s2 =	sld [smem:$0x3FFC];
	_ =	sdelay $0x3  }
0x94: {  	_ =	strace s2  }
0x95: {  	s2 =	sld [smem:$0x3FFD];
	_ =	sdelay $0x3  }
0x96: {  	_ =	strace s2  }
0x97: {  	_ =	strace $0x8FFFFFFF  }
0x98: {  	s18 =	sld [smem:$0x3FDB];
	_ =	sdelay $0x1  }
0x99: {  	s19 =	simm.s32 $_scs_section_size  }
0x9a: {  	s4 =	simm.s32 $_size__tile_overlayer_lowered;
	s5 =	simm.s32 $_tile_overlayer_lowered  }
0x9b: {  	s22 =	simm.s32 $0x1BFF;
	s21 =	sshll.u32 s5, $0x1;
	s2 =	sadd.s32 s19, s18  }
0x9c: {  	s6 =	simm.s32 $0x0;
	s20 =	sshll.u32 s4, $0x1;
	s4 =	sadd.s32 s21, s2  }
0x9d: {  	[timem:s6], [sflag:s22] =	dma.local [hbm:s4], s20  }
0x9e: {  	_ =	swait.ge [sflag:s22], s20  }
0x9f: {  	s3 =	ssub.s32 $0x0, s20;
	[sflag:s22] =	ssyncset.done $0x0  }
0xa0: {  	[sflag:s22] =	ssyncadd.s32 s3;
	_ =	sdelay $0x1  }
0xa1: {  	s23 =	simm.s32 $0x1B8B  }
0xa2: {  	_ =	swait.ge [sflag:s23], $0x1  }
0xa3: {  	[sflag:s23] =	ssyncset.done $0x0  }
0xa4: {  	s25 =	simm.s32 $0x1B8E;
	s24 =	sld [smem:$0x3FFE];
	[sflag:s23] =	ssyncadd.s32 $0xFFFFFFFF  }
0xa5: {  	s26 =	simm.s32 $execute0_lowered;
	[smem:$0x3FD2] =	sst s25  }
0xa6: {  	s4 =	sshll.u32 s26, $0x1;
	_ =	strace $0x80000046;
	[dreg:$0x1] =	wrdreg $0xFFFFFFFF  }
0xa7: {  	s28 =	simm.s32 $_size_execute0_lowered;
	s2 =	sadd.s32 s2, s4;
	[dreg:$0x0] =	wrdreg $0x0  }
0xa8: {  	s4 =	sshll.u32 s28, $0x1;
	[dreg:$0x2] =	wrdreg s2  }
0xa9: {  	[dreg:$0x3] =	wrdreg s4  }
0xaa: {  	[dreg:$0x4] =	wrdreg $0xC0  }
0xab: {  	_ =	task [dreg:s6], $0x5FFFF  }
0xac: {  	[dreg:$0x1] =	wrdreg $0xFFFFFFFF  }
0xad: {  	[dreg:$0x0] =	wrdreg $0x60  }
0xae: {  	[dreg:$0x2] =	wrdreg s24  }
0xaf: {  	[dreg:$0x3] =	wrdreg $0x9  }
0xb0: {  	_ =	task.clear_ibuf [dreg:s6], $0x4FFFF;
	_ =	strace $0x90000046  }
0xb1: {  	s29 =	simm.s32 $0x9;
	_ =	strace $0x80000048  }
0xb2: {  	_ =	swait.ge [sflag:s29], $0x1  }
0xb3: {  	[sflag:s29] =	ssyncadd.s32 $0xFFFFFFFF  }
0xb4: {  	_ =	strace $0x90000048  }
0xb5: {  	_ =	sfence  }
0xb6: {  	s30 =	sld [smem:$0x0];
	_ =	sdelay $0x2  }
0xb7: {  	s31 =	sshll.u32 s1, $0xD;
	s1 =	sshrl.u32 s1, $0x2  }
0xb8: {  	s3 =	sand.u32 $0x4000, s31;
	s1 =	sadd.s32 s1, s30  }
0xb9: {  	s0 =	sor.u32 s3, s0;
	s1 =	sshll.u32 s1, $0x11  }
0xba: {  	s0 =	sor.u32 s1, s0  }
0xbb: {  	s0 =	sadd.s32 $0x8F2B, s0  }
0xbc: {  	[sflag:s0] =	ssyncadd.remote.s32 $0x1  }
0xbd: {  	_ =	sfence.sel $0xFFFF  }
0xbe: {  	[dreg:$0x0] =	wrdreg $0xFFFFFFFF;
	(pc) =	sbr.abs _section_cstart, $3  }
0xbf: {  	[dreg:$0x1] =	wrdreg $0xFFFFFFFF  }
0xc0: {  	_ =	task.clear_ibuf [dreg:s6], $0x2FFFF;
	_ =	strace $0x9FFFFFFF  }
0xc1: {  	(tm) =	ssettm $0x7FFFFFFF  }
tec
execute0_lowered:
.L_overlay_start_1:
0x0: {  	(tag) =	ssettag $0x1  }
0x1: {  	s0 =	rddreg [dreg:$0x0];
	s1 =	srdreg.scid  }
0x2: {  	s3 =	stileid.u32;
	s2 =	simm.s32 $0x0;
	s1 =	sand.u32 $0x1, s1  }
0x3: {  	s6 =	simm.s32 $0x1;
	s3 =	sshll.u32 s3, $0x11;
	s4 =	sshll.u32 s1, $0x10  }
0x4: {  	s7 =	simm.s32 $0x0;
	s1 =	ssub.s32 $0x2, s1;
	s3 =	sor.u32 s4, s3  }
0x5: {  	[smem:$0x7FF] =	sst s2;
	s19 =	sshrl.u32 s1, $0x1;
	s4 =	sadd.s32 s3, s0  }
0x6: {  	_ =	strace $0x80000047;
	s5 =	ssub.s32 s1, s19;
	s20 =	sadd.s32 $0x600, s4  }
0x7: {  	s21 =	sadd.s32 $0xE00, s4;
	s22 =	sadd.s32 $0x1600, s4;
	s23 =	sadd.s32 $0x1E00, s4  }
0x8: {  	s24 =	sadd.s32 $0x2600, s4;
	s25 =	sadd.s32 $0x2E00, s4;
	s26 =	sadd.s32 $0x3600, s4  }
0x9: {  	s10 =	sadd.s32 $0x3E00, s4;
	s11 =	sadd.s32 $0x4600, s4;
	s12 =	sadd.s32 $0x4E00, s4  }
0xa: {  	s13 =	sadd.s32 $0x5600, s4;
	s14 =	sadd.s32 $0x5E00, s4;
	s15 =	sadd.s32 $0x6600, s4  }
0xb: {  	s16 =	sadd.s32 $0x6E00, s4;
	s17 =	sadd.s32 $0x7600, s4;
	[dreg:$0x2] =	wrdreg s20  }
0xc: {  	s18 =	sadd.s32 $0x7E00, s4;
	s19 =	sadd.s32 $0x8600, s4;
	[dreg:$0x3] =	wrdreg s21  }
0xd: {  	s28 =	sadd.s32 $0xC600, s4;
	s29 =	sadd.s32 $0xCE00, s4;
	[dreg:$0x4] =	wrdreg s22  }
0xe: {  	s30 =	sadd.s32 $0xD600, s4;
	s31 =	sadd.s32 $0xDE00, s4;
	[dreg:$0x5] =	wrdreg s23  }
0xf: {  	s0 =	sadd.s32 $0xE600, s4;
	s1 =	sadd.s32 $0xEE00, s4;
	[dreg:$0x6] =	wrdreg s24  }
0x10: {  	s3 =	sadd.s32 $0xF600, s4;
	s5 =	smax.u32 s5, $0x1;
	[dreg:$0x7] =	wrdreg s25  }
0x11: {  	[dreg:$0x8] =	wrdreg s26;
	s20 =	sadd.s32 $0x8E00, s4;
	s21 =	sadd.s32 $0x9600, s4  }
0x12: {  	s22 =	sadd.s32 $0x9E00, s4;
	s23 =	sadd.s32 $0xA600, s4;
	s24 =	sadd.s32 $0xAE00, s4  }
0x13: {  	v0 =	vimm.f32 $0.0e+00;
	s25 =	sadd.s32 $0xB600, s4;
	s26 =	sadd.s32 $0xBE00, s4;
	s4 =	sadd.s32 $0xFE00, s4  }
.LBB2_1:
0x14: {  	s8 =	simm.s32 $0x40  }
0x15: {  	[tilespmem:s8+$0xFFFFFFC0] =	vst v0  }
0x16: {  	[tilespmem:s8+$0x30] =	vst v0  }
0x17: {  	[tilespmem:s8+$0x20] =	vst v0  }
0x18: {  	[tilespmem:s8+$0x10] =	vst v0  }
0x19: {  	[tilespmem:s8+$0x0] =	vst v0  }
0x1a: {  	[tilespmem:s8+$0xFFFFFFF0] =	vst v0  }
0x1b: {  	s9 =	simm.s32 $0x0;
	[tilespmem:s8+$0xFFFFFFE0] =	vst v0  }
.LBB2_2:
0x1c: {  	s9 =	sadd.s32 $0x8, s9;
	[tilespmem:s8+$0xFFFFFFD0] =	vst v0;
	s8 =	sadd.s32 $0x80, s8  }
0x1d: {  	[tilespmem:s8+$0xFFFFFFC0] =	vst v0;
	p0 =	slt.u32 s9, $0x3F8  }
0x1e: {  	[tilespmem:s8+$0x30] =	vst v0  }
.Ltmp0:
0x1f: {  	[tilespmem:s8+$0x20] =	vst v0;
	(pc) =	sbr.rel @p0 .LBB2_2-.Ltmp0, $4  }
0x20: {  	[tilespmem:s8+$0x10] =	vst v0  }
0x21: {  	[tilespmem:s8+$0x0] =	vst v0  }
0x22: {  	[tilespmem:s8+$0xFFFFFFF0] =	vst v0  }
0x23: {  	[tilespmem:s8+$0xFFFFFFE0] =	vst v0  }
0x24: {  	[tilespmem:s8+$0xFFFFFFD0] =	vst v0;
	s9 =	rddreg [dreg:$0x2]  }
0x25: {  	[hbm4b:s9+s2] =	stream.linear.scatter [tilespmem:s2], [sflag:$0x1], $0x4000, $0x38;
	[tilespmem:$0x4000] =	vst v63  }
0x26: {  	s9 =	rddreg [dreg:$0x3]  }
0x27: {  	[hbm4b:s9+s2] =	stream.linear.scatter [tilespmem:s2], [sflag:$0x1], $0x4000, $0x38;
	[tilespmem:$0x4000] =	vst v63  }
0x28: {  	s9 =	rddreg [dreg:$0x4]  }
0x29: {  	[hbm4b:s9+s2] =	stream.linear.scatter [tilespmem:s2], [sflag:$0x1], $0x4000, $0x38;
	[tilespmem:$0x4000] =	vst v63  }
0x2a: {  	s9 =	rddreg [dreg:$0x5]  }
0x2b: {  	[hbm4b:s9+s2] =	stream.linear.scatter [tilespmem:s2], [sflag:$0x1], $0x4000, $0x38;
	[tilespmem:$0x4000] =	vst v63  }
0x2c: {  	s9 =	rddreg [dreg:$0x6]  }
0x2d: {  	[hbm4b:s9+s2] =	stream.linear.scatter [tilespmem:s2], [sflag:$0x1], $0x4000, $0x38;
	[tilespmem:$0x4000] =	vst v63  }
0x2e: {  	s9 =	rddreg [dreg:$0x7]  }
0x2f: {  	[hbm4b:s9+s2] =	stream.linear.scatter [tilespmem:s2], [sflag:$0x1], $0x4000, $0x38;
	[tilespmem:$0x4000] =	vst v63  }
0x30: {  	s9 =	rddreg [dreg:$0x8]  }
0x31: {  	[hbm4b:s9+s2] =	stream.linear.scatter [tilespmem:s2], [sflag:$0x1], $0x4000, $0x38;
	[tilespmem:$0x4000] =	vst v63  }
0x32: {  	_ = 	snop  }
0x33: {  	[hbm4b:s10+s2] =	stream.linear.scatter [tilespmem:s2], [sflag:$0x1], $0x4000, $0x38;
	[tilespmem:$0x4000] =	vst v63  }
0x34: {  	_ = 	snop  }
0x35: {  	[hbm4b:s11+s2] =	stream.linear.scatter [tilespmem:s2], [sflag:$0x1], $0x4000, $0x38;
	[tilespmem:$0x4000] =	vst v63  }
0x36: {  	_ = 	snop  }
0x37: {  	[hbm4b:s12+s2] =	stream.linear.scatter [tilespmem:s2], [sflag:$0x1], $0x4000, $0x38;
	[tilespmem:$0x4000] =	vst v63  }
0x38: {  	_ = 	snop  }
0x39: {  	[hbm4b:s13+s2] =	stream.linear.scatter [tilespmem:s2], [sflag:$0x1], $0x4000, $0x38;
	[tilespmem:$0x4000] =	vst v63  }
0x3a: {  	_ = 	snop  }
0x3b: {  	[hbm4b:s14+s2] =	stream.linear.scatter [tilespmem:s2], [sflag:$0x1], $0x4000, $0x38;
	[tilespmem:$0x4000] =	vst v63  }
0x3c: {  	_ = 	snop  }
0x3d: {  	[hbm4b:s15+s2] =	stream.linear.scatter [tilespmem:s2], [sflag:$0x1], $0x4000, $0x38;
	[tilespmem:$0x4000] =	vst v63  }
0x3e: {  	_ = 	snop  }
0x3f: {  	[hbm4b:s16+s2] =	stream.linear.scatter [tilespmem:s2], [sflag:$0x1], $0x4000, $0x38;
	[tilespmem:$0x4000] =	vst v63  }
0x40: {  	_ = 	snop  }
0x41: {  	[hbm4b:s17+s2] =	stream.linear.scatter [tilespmem:s2], [sflag:$0x1], $0x4000, $0x38;
	[tilespmem:$0x4000] =	vst v63  }
0x42: {  	_ = 	snop  }
0x43: {  	[hbm4b:s18+s2] =	stream.linear.scatter [tilespmem:s2], [sflag:$0x1], $0x4000, $0x38;
	[tilespmem:$0x4000] =	vst v63  }
0x44: {  	_ = 	snop  }
0x45: {  	[hbm4b:s19+s2] =	stream.linear.scatter [tilespmem:s2], [sflag:$0x1], $0x4000, $0x38;
	[tilespmem:$0x4000] =	vst v63  }
0x46: {  	_ = 	snop  }
0x47: {  	[hbm4b:s20+s2] =	stream.linear.scatter [tilespmem:s2], [sflag:$0x1], $0x4000, $0x38;
	[tilespmem:$0x4000] =	vst v63  }
0x48: {  	_ = 	snop  }
0x49: {  	[hbm4b:s21+s2] =	stream.linear.scatter [tilespmem:s2], [sflag:$0x1], $0x4000, $0x38;
	[tilespmem:$0x4000] =	vst v63  }
0x4a: {  	_ = 	snop  }
0x4b: {  	[hbm4b:s22+s2] =	stream.linear.scatter [tilespmem:s2], [sflag:$0x1], $0x4000, $0x38;
	[tilespmem:$0x4000] =	vst v63  }
0x4c: {  	_ = 	snop  }
0x4d: {  	[hbm4b:s23+s2] =	stream.linear.scatter [tilespmem:s2], [sflag:$0x1], $0x4000, $0x38;
	[tilespmem:$0x4000] =	vst v63  }
0x4e: {  	_ = 	snop  }
0x4f: {  	[hbm4b:s24+s2] =	stream.linear.scatter [tilespmem:s2], [sflag:$0x1], $0x4000, $0x38;
	[tilespmem:$0x4000] =	vst v63  }
0x50: {  	_ = 	snop  }
0x51: {  	[hbm4b:s25+s2] =	stream.linear.scatter [tilespmem:s2], [sflag:$0x1], $0x4000, $0x38;
	[tilespmem:$0x4000] =	vst v63  }
0x52: {  	_ = 	snop  }
0x53: {  	[hbm4b:s26+s2] =	stream.linear.scatter [tilespmem:s2], [sflag:$0x1], $0x4000, $0x38;
	[tilespmem:$0x4000] =	vst v63  }
0x54: {  	_ = 	snop  }
0x55: {  	[hbm4b:s28+s2] =	stream.linear.scatter [tilespmem:s2], [sflag:$0x1], $0x4000, $0x38;
	[tilespmem:$0x4000] =	vst v63  }
0x56: {  	_ = 	snop  }
0x57: {  	[hbm4b:s29+s2] =	stream.linear.scatter [tilespmem:s2], [sflag:$0x1], $0x4000, $0x38;
	[tilespmem:$0x4000] =	vst v63  }
0x58: {  	_ = 	snop  }
0x59: {  	[hbm4b:s30+s2] =	stream.linear.scatter [tilespmem:s2], [sflag:$0x1], $0x4000, $0x38;
	[tilespmem:$0x4000] =	vst v63  }
0x5a: {  	_ = 	snop  }
0x5b: {  	[hbm4b:s31+s2] =	stream.linear.scatter [tilespmem:s2], [sflag:$0x1], $0x4000, $0x38;
	[tilespmem:$0x4000] =	vst v63  }
0x5c: {  	_ = 	snop  }
0x5d: {  	[hbm4b:s0+s2] =	stream.linear.scatter [tilespmem:s2], [sflag:$0x1], $0x4000, $0x38;
	[tilespmem:$0x4000] =	vst v63  }
0x5e: {  	_ = 	snop  }
0x5f: {  	[hbm4b:s1+s2] =	stream.linear.scatter [tilespmem:s2], [sflag:$0x1], $0x4000, $0x38;
	[tilespmem:$0x4000] =	vst v63  }
0x60: {  	_ = 	snop  }
0x61: {  	[hbm4b:s3+s2] =	stream.linear.scatter [tilespmem:s2], [sflag:$0x1], $0x4000, $0x38;
	[tilespmem:$0x4000] =	vst v63  }
0x62: {  	_ = 	snop  }
0x63: {  	[hbm4b:s4+s2] =	stream.linear.scatter [tilespmem:s2], [sflag:$0x1], $0x4000, $0x38;
	[tilespmem:$0x4000] =	vst v63  }
0x64: {  	_ =	swait.ge [sflag:s6], $0x4000  }
0x65: {  	[sflag:s6] =	ssyncset.done $0x0  }
0x66: {  	[sflag:s6] =	ssyncadd.s32 $0xFFFFC000  }
0x67: {  	_ =	swait.ge [sflag:s6], $0x4000  }
0x68: {  	[sflag:s6] =	ssyncset.done $0x0  }
0x69: {  	[sflag:s6] =	ssyncadd.s32 $0xFFFFC000  }
0x6a: {  	_ =	swait.ge [sflag:s6], $0x4000  }
0x6b: {  	[sflag:s6] =	ssyncset.done $0x0  }
0x6c: {  	[sflag:s6] =	ssyncadd.s32 $0xFFFFC000  }
0x6d: {  	_ =	swait.ge [sflag:s6], $0x4000  }
0x6e: {  	[sflag:s6] =	ssyncset.done $0x0  }
0x6f: {  	[sflag:s6] =	ssyncadd.s32 $0xFFFFC000  }
0x70: {  	_ =	swait.ge [sflag:s6], $0x4000  }
0x71: {  	[sflag:s6] =	ssyncset.done $0x0  }
0x72: {  	[sflag:s6] =	ssyncadd.s32 $0xFFFFC000  }
0x73: {  	_ =	swait.ge [sflag:s6], $0x4000  }
0x74: {  	[sflag:s6] =	ssyncset.done $0x0  }
0x75: {  	[sflag:s6] =	ssyncadd.s32 $0xFFFFC000  }
0x76: {  	_ =	swait.ge [sflag:s6], $0x4000  }
0x77: {  	[sflag:s6] =	ssyncset.done $0x0  }
0x78: {  	[sflag:s6] =	ssyncadd.s32 $0xFFFFC000  }
0x79: {  	_ =	swait.ge [sflag:s6], $0x4000  }
0x7a: {  	[sflag:s6] =	ssyncset.done $0x0  }
0x7b: {  	[sflag:s6] =	ssyncadd.s32 $0xFFFFC000  }
0x7c: {  	_ =	swait.ge [sflag:s6], $0x4000  }
0x7d: {  	[sflag:s6] =	ssyncset.done $0x0  }
0x7e: {  	[sflag:s6] =	ssyncadd.s32 $0xFFFFC000  }
0x7f: {  	_ =	swait.ge [sflag:s6], $0x4000  }
0x80: {  	[sflag:s6] =	ssyncset.done $0x0  }
0x81: {  	[sflag:s6] =	ssyncadd.s32 $0xFFFFC000  }
0x82: {  	_ =	swait.ge [sflag:s6], $0x4000  }
0x83: {  	[sflag:s6] =	ssyncset.done $0x0  }
0x84: {  	[sflag:s6] =	ssyncadd.s32 $0xFFFFC000  }
0x85: {  	_ =	swait.ge [sflag:s6], $0x4000  }
0x86: {  	[sflag:s6] =	ssyncset.done $0x0  }
0x87: {  	[sflag:s6] =	ssyncadd.s32 $0xFFFFC000  }
0x88: {  	_ =	swait.ge [sflag:s6], $0x4000  }
0x89: {  	[sflag:s6] =	ssyncset.done $0x0  }
0x8a: {  	[sflag:s6] =	ssyncadd.s32 $0xFFFFC000  }
0x8b: {  	_ =	swait.ge [sflag:s6], $0x4000  }
0x8c: {  	[sflag:s6] =	ssyncset.done $0x0  }
0x8d: {  	[sflag:s6] =	ssyncadd.s32 $0xFFFFC000  }
0x8e: {  	_ =	swait.ge [sflag:s6], $0x4000  }
0x8f: {  	[sflag:s6] =	ssyncset.done $0x0  }
0x90: {  	[sflag:s6] =	ssyncadd.s32 $0xFFFFC000  }
0x91: {  	_ =	swait.ge [sflag:s6], $0x4000  }
0x92: {  	[sflag:s6] =	ssyncset.done $0x0  }
0x93: {  	[sflag:s6] =	ssyncadd.s32 $0xFFFFC000  }
0x94: {  	_ =	swait.ge [sflag:s6], $0x4000  }
0x95: {  	[sflag:s6] =	ssyncset.done $0x0  }
0x96: {  	[sflag:s6] =	ssyncadd.s32 $0xFFFFC000  }
0x97: {  	_ =	swait.ge [sflag:s6], $0x4000  }
0x98: {  	[sflag:s6] =	ssyncset.done $0x0  }
0x99: {  	[sflag:s6] =	ssyncadd.s32 $0xFFFFC000  }
0x9a: {  	_ =	swait.ge [sflag:s6], $0x4000  }
0x9b: {  	[sflag:s6] =	ssyncset.done $0x0  }
0x9c: {  	[sflag:s6] =	ssyncadd.s32 $0xFFFFC000  }
0x9d: {  	_ =	swait.ge [sflag:s6], $0x4000  }
0x9e: {  	[sflag:s6] =	ssyncset.done $0x0  }
0x9f: {  	[sflag:s6] =	ssyncadd.s32 $0xFFFFC000  }
0xa0: {  	_ =	swait.ge [sflag:s6], $0x4000  }
0xa1: {  	[sflag:s6] =	ssyncset.done $0x0  }
0xa2: {  	[sflag:s6] =	ssyncadd.s32 $0xFFFFC000  }
0xa3: {  	_ =	swait.ge [sflag:s6], $0x4000  }
0xa4: {  	[sflag:s6] =	ssyncset.done $0x0  }
0xa5: {  	[sflag:s6] =	ssyncadd.s32 $0xFFFFC000  }
0xa6: {  	_ =	swait.ge [sflag:s6], $0x4000  }
0xa7: {  	[sflag:s6] =	ssyncset.done $0x0  }
0xa8: {  	[sflag:s6] =	ssyncadd.s32 $0xFFFFC000  }
0xa9: {  	_ =	swait.ge [sflag:s6], $0x4000  }
0xaa: {  	[sflag:s6] =	ssyncset.done $0x0  }
0xab: {  	[sflag:s6] =	ssyncadd.s32 $0xFFFFC000  }
0xac: {  	_ =	swait.ge [sflag:s6], $0x4000  }
0xad: {  	[sflag:s6] =	ssyncset.done $0x0  }
0xae: {  	[sflag:s6] =	ssyncadd.s32 $0xFFFFC000  }
0xaf: {  	_ =	swait.ge [sflag:s6], $0x4000  }
0xb0: {  	[sflag:s6] =	ssyncset.done $0x0  }
0xb1: {  	[sflag:s6] =	ssyncadd.s32 $0xFFFFC000  }
0xb2: {  	_ =	swait.ge [sflag:s6], $0x4000  }
0xb3: {  	[sflag:s6] =	ssyncset.done $0x0  }
0xb4: {  	[sflag:s6] =	ssyncadd.s32 $0xFFFFC000  }
0xb5: {  	_ =	swait.ge [sflag:s6], $0x4000  }
0xb6: {  	[sflag:s6] =	ssyncset.done $0x0  }
0xb7: {  	[sflag:s6] =	ssyncadd.s32 $0xFFFFC000  }
0xb8: {  	_ =	swait.ge [sflag:s6], $0x4000  }
0xb9: {  	[sflag:s6] =	ssyncset.done $0x0  }
0xba: {  	[sflag:s6] =	ssyncadd.s32 $0xFFFFC000  }
0xbb: {  	_ =	swait.ge [sflag:s6], $0x4000  }
0xbc: {  	[sflag:s6] =	ssyncset.done $0x0  }
0xbd: {  	s7 =	sadd.s32 $0x1, s7;
	[sflag:s6] =	ssyncadd.s32 $0xFFFFC000  }
0xbe: {  	p0 =	sne.s32 s7, s5;
	_ =	swait.ge [sflag:s6], $0x4000  }
.Ltmp1:
0xbf: {  	[sflag:s6] =	ssyncset.done $0x0;
	(pc) =	sbr.rel @p0 .LBB2_1-.Ltmp1, $4  }
0xc0: {  	[sflag:s6] =	ssyncadd.s32 $0xFFFFC000  }
0xc1: {  	_ =	swait.ge [sflag:s6], $0x4000  }
0xc2: {  	[sflag:s6] =	ssyncset.done $0x0  }
0xc3: {  	[sflag:s6] =	ssyncadd.s32 $0xFFFFC000  }
0xc4: {  	_ =	sfence.sel $0x180000  }
0xc5: {  	[bflag:$0x0] =	sbarrier.arrive $0xFFFF  }
0xc6: {  	_ =	strace $0x90000047  }
0xc7: {  	s0 =	stileid.u32;
	[bflag:$0x2] =	sbarrier.arrive $0xFFFF  }
0xc8: {  	p0 =	sne.s32 s0, $0x0;
	s0 =	rddreg [dreg:$0x1]  }
0xc9: {  	s0 =	sadd.s32 @!p0 $0x100000, s0  }
0xca: {  	[sflag:s0] =	ssyncadd.tile.s32 @!p0 $0x1;
	_ =	shalt  }
.Lfunc_end2:
_tile_overlayer_lowered:
.L_overlay_start_2:
0xcb: {  	(tag) =	ssettag $0x2  }
0xcc: {  	s0 =	rddreg [dreg:$0x0];
	s2 =	stileid.u32  }
0xcd: {  	s1 =	rddreg [dreg:$0x1];
	p0 =	sne.s32 s2, $0x0  }
0xce: {  	s3 =	rddreg [dreg:$0x2];
	[bflag:$0x3] =	sbarrier.arrive $0xFFFF;
	s2 =	simm.s32 @!p0 $0x1C02  }
0xcf: {  	[timem:s3], [sflag:s2] =	dma.local @!p0 [hbm:s0], s1  }
0xd0: {  	s0 =	simm.s32 @!p0 $0x2  }
0xd1: {  	_ =	swait.ge @!p0 [sflag:s0], s1  }
0xd2: {  	s1 =	ssub.s32 @!p0 $0x0, s1;
	[sflag:s0] =	ssyncset.done @!p0 $0x0  }
0xd3: {  	[sflag:s0] =	ssyncadd.s32 @!p0 s1  }
0xd4: {  	[bflag:$0x3] =	sbarrier.arrive $0xFFFF  }
0xd5: {  	_ =	shalt  }

</sc_bundles>
